<compile_context>
chip_gen: v7x
topology: tpu7x:2x2x1
jax: 0.10.2.dev20260603
libtpu: 0.0.44.dev20260713+nightly
codegen_flags: <defaults>
</compile_context>

<pallas_src>
import functools

import jax
import jax.numpy as jnp
from jax import lax
from jax.experimental import pallas as pl
from jax.experimental.pallas import tpu as pltpu
from jax.experimental.pallas import tpu_sc as plsc

K = 16
CHUNK = 128


@functools.partial(jax.jit, static_argnames=("num_cores", "num_subcores"))
def _mf_sc(user_idx, prob_idx, user_table, prob_table, w16, b16,
           num_cores, num_subcores):
    batch = user_idx.shape[0]
    nw = num_cores * num_subcores
    bpw = batch // nw
    n_chunks = bpw // CHUNK

    idx_u2 = user_idx.reshape(nw * n_chunks, CHUNK)
    idx_p2 = prob_idx.reshape(nw * n_chunks, CHUNK)

    mesh = plsc.VectorSubcoreMesh(
        core_axis_name="c", subcore_axis_name="s",
        num_cores=num_cores, num_subcores=num_subcores)

    @functools.partial(
        pl.kernel,
        out_type=jax.ShapeDtypeStruct((batch,), jnp.float32),
        mesh=mesh,
        scratch_types=[
            pltpu.VMEM((n_chunks, CHUNK), jnp.int32),
            pltpu.VMEM((n_chunks, CHUNK), jnp.int32),
            pltpu.VMEM((bpw, K), jnp.float32),
            pltpu.VMEM((bpw, K), jnp.float32),
            pltpu.VMEM((K,), jnp.float32),
            pltpu.VMEM((K,), jnp.float32),
            pltpu.VMEM((bpw,), jnp.float32),
            pltpu.SemaphoreType.DMA,
        ],
        compiler_params=pltpu.CompilerParams(
            needs_layout_passes=False, use_tc_tiling_on_sc=False),
    )
    def mf_kernel(idx_u_hbm, idx_p_hbm, ut_hbm, pt_hbm, w_hbm, b_hbm,
                  out_hbm, idx_u_v, idx_p_v, rows_u, rows_p, w_v, b_v,
                  out_v, sem):
        wid = lax.axis_index("s") * num_cores + lax.axis_index("c")
        base = wid * bpw

        pltpu.sync_copy(idx_u_hbm.at[pl.ds(wid * n_chunks, n_chunks)], idx_u_v)
        pltpu.sync_copy(idx_p_hbm.at[pl.ds(wid * n_chunks, n_chunks)], idx_p_v)
        pltpu.sync_copy(w_hbm, w_v)
        pltpu.sync_copy(b_hbm, b_v)

        copies = []
        for j in range(n_chunks):
            copies.append(pltpu.async_copy(
                ut_hbm.at[idx_u_v.at[j]],
                rows_u.at[pl.ds(j * CHUNK, CHUNK)], sem))
            copies.append(pltpu.async_copy(
                pt_hbm.at[idx_p_v.at[j]],
                rows_p.at[pl.ds(j * CHUNK, CHUNK)], sem))
        for c in copies:
            c.wait()

        wv = w_v[...]
        bv = b_v[...]
        lanes = lax.iota(jnp.int32, K)

        def body(g, carry):
            row_ids = g * K + lanes
            acc = bv
            for k in range(K):
                col = jnp.full((K,), k, jnp.int32)
                gu = plsc.load_gather(rows_u, [row_ids, col])
                gp = plsc.load_gather(rows_p, [row_ids, col])
                acc = acc + gu * gp * wv[k]
            out_v[pl.ds(g * K, K)] = acc
            return carry

        lax.fori_loop(0, bpw // K, body, 0)

        pltpu.sync_copy(out_v, out_hbm.at[pl.ds(base, bpw)])

    return mf_kernel(idx_u2, idx_p2, user_table, prob_table, w16, b16)


def kernel(input_user, input_prob, user_table, prob_table, dense_w, dense_b):
    info = plsc.get_sparse_core_info()
    out = _mf_sc(
        input_user.reshape(-1),
        input_prob.reshape(-1),
        user_table,
        prob_table,
        dense_w.reshape(K),
        jnp.broadcast_to(dense_b, (K,)),
        info.num_cores,
        info.num_subcores,
    )
    return out.reshape(-1, 1)

# --- scband reference (transcript-rebuilt; emitter-appended) ---
"""Pipeline reference for scband-mf-8504035246690 (READ-ONLY COPY).

The authoritative reference and input builder live on the scoring server;
editing this copy changes nothing except your own understanding.
"""

import jax, jax.numpy as jnp
import numpy as np

USER_NO = 1000000
PROB_NO = 100000
K = 16
BATCH = 16384

def setup_inputs(seed: int = 0) -> dict:
    key = jax.random.key(seed)
    k1, k2, k3, k4, k5, k6 = jax.random.split(key, 6)
    input_user = jax.random.randint(k1, (BATCH, 1), 0, USER_NO, dtype=jnp.int32)
    input_prob = jax.random.randint(k2, (BATCH, 1), 0, PROB_NO, dtype=jnp.int32)
    user_table = jax.random.normal(k3, (USER_NO, K), dtype=jnp.float32) * 0.05
    prob_table = jax.random.normal(k4, (PROB_NO, K), dtype=jnp.float32) * 0.05
    dense_w = jax.random.normal(k5, (K, 1), dtype=jnp.float32) * (1.0 / np.sqrt(K))
    dense_b = jnp.zeros((1,), dtype=jnp.float32)
    return {
        'input_user': input_user,
        'input_prob': input_prob,
        'user_table': user_table,
        'prob_table': prob_table,
        'dense_w': dense_w,
        'dense_b': dense_b,
    }

def reference(input_user, input_prob, user_table, prob_table, dense_w, dense_b):
    # Embedding lookup: [B, 1] -> [B, 1, K] -> Flatten -> [B, K]
    eu = jnp.take(user_table, input_user[:, 0], axis=0)  # [B, K]
    ep = jnp.take(prob_table, input_prob[:, 0], axis=0)  # [B, K]
    # Multiply layer (elementwise)
    m = eu * ep  # [B, K]
    # Dense(1)
    out = m @ dense_w + dense_b  # [B, 1]
    return out

if __name__ == "__main__":
    import jax
    _d = setup_inputs()
    print(jax.jit(kernel)(*tuple(_d.values())))

</pallas_src>

<mosaic_0001>
#map = affine_map<(d0, d1) -> (0, 0)>
#map1 = affine_map<(d0, d1) -> (0)>
module attributes {stable_mosaic.version = 14 : i64} {
  func.func @mf_kernel(%arg0: i32, %arg1: i32, %arg2: memref<128x128xi32, #tpu.memory_space<hbm>>, %arg3: memref<128x128xi32, #tpu.memory_space<hbm>>, %arg4: memref<1000000x16xf32, #tpu.memory_space<hbm>>, %arg5: memref<100000x16xf32, #tpu.memory_space<hbm>>, %arg6: memref<16xf32, #tpu.memory_space<hbm>>, %arg7: memref<16xf32, #tpu.memory_space<hbm>>, %arg8: memref<16384xf32, #tpu.memory_space<hbm>>, %arg9: memref<4x128xi32, #tpu.memory_space<vmem>>, %arg10: memref<4x128xi32, #tpu.memory_space<vmem>>, %arg11: memref<512x16xf32, #tpu.memory_space<vmem>>, %arg12: memref<512x16xf32, #tpu.memory_space<vmem>>, %arg13: memref<16xf32, #tpu.memory_space<vmem>>, %arg14: memref<16xf32, #tpu.memory_space<vmem>>, %arg15: memref<512xf32, #tpu.memory_space<vmem>>, %arg16: memref<!tpu.dma_semaphore, #tpu.memory_space<semaphore_mem>>) attributes {dimension_semantics = [#tpu.dimension_semantics<core_parallel>, #tpu.dimension_semantics<subcore_parallel>], iteration_bounds = array<i64: 2, 16>, scalar_prefetch = 0 : i64, scratch_operands = 8 : i64, tpu.core_type = #tpu.core_type<sc_vector_subcore>, window_params = [{transform_indices = #map}, {transform_indices = #map}, {transform_indices = #map}, {transform_indices = #map}, {transform_indices = #map1}, {transform_indices = #map1}, {transform_indices = #map1}]} {
    %mul3A = arith.constant 2 : i32
    %mul3A_0 = arith.muli %arg1, %mul3A : i32
    %add3A = arith.addi %mul3A_0, %arg0 : i32
    %mul3A_1 = arith.constant 512 : i32
    %mul3A_2 = arith.muli %add3A, %mul3A_1 : i32
    %mul3A_3 = arith.constant 4 : i32
    %mul3A_4 = arith.muli %add3A, %mul3A_3 : i32
    "tpu.region"() ({
      %run_scoped3A = tpu.sem_alloc : memref<!tpu.dma_semaphore, #tpu.memory_space<semaphore_mem>>
      %dma_start3A_173 = arith.constant 0 : i32
      %dma_start3A_174 = tpu.memref_slice %arg2[%mul3A_4, %dma_start3A_173] : memref<128x128xi32, #tpu.memory_space<hbm>> -> memref<4x128xi32, #tpu.memory_space<hbm>>
      %dma_start3A_175 = arith.constant 0 : i32
      %dma_start3A_176 = tpu.memref_slice %arg2[%mul3A_4, %dma_start3A_175] : memref<128x128xi32, #tpu.memory_space<hbm>> -> memref<4x128xi32, #tpu.memory_space<hbm>>
      tpu.enqueue_dma source(%dma_start3A_176 : memref<4x128xi32, #tpu.memory_space<hbm>>) target(%arg9 : memref<4x128xi32, #tpu.memory_space<vmem>>) target_semaphore(%run_scoped3A : memref<!tpu.dma_semaphore, #tpu.memory_space<semaphore_mem>>)
      %dma_wait3A_177 = arith.constant 0 : i32
      %dma_wait3A_178 = tpu.memref_slice %arg2[%mul3A_4, %dma_wait3A_177] : memref<128x128xi32, #tpu.memory_space<hbm>> -> memref<4x128xi32, #tpu.memory_space<hbm>>
      %dma_wait3A_179 = arith.constant 0 : i32
      %dma_wait3A_180 = tpu.memref_slice %arg2[%mul3A_4, %dma_wait3A_179] : memref<128x128xi32, #tpu.memory_space<hbm>> -> memref<4x128xi32, #tpu.memory_space<hbm>>
      tpu.wait_dma2 semaphore(%run_scoped3A : memref<!tpu.dma_semaphore, #tpu.memory_space<semaphore_mem>>) src(%dma_wait3A_180 : memref<4x128xi32, #tpu.memory_space<hbm>>) dst(%arg9 : memref<4x128xi32, #tpu.memory_space<vmem>>)
      tpu.yield
    }) : () -> ()
    %mul3A_5 = arith.constant 4 : i32
    %mul3A_6 = arith.muli %add3A, %mul3A_5 : i32
    "tpu.region"() ({
      %run_scoped3A = tpu.sem_alloc : memref<!tpu.dma_semaphore, #tpu.memory_space<semaphore_mem>>
      %dma_start3A_173 = arith.constant 0 : i32
      %dma_start3A_174 = tpu.memref_slice %arg3[%mul3A_6, %dma_start3A_173] : memref<128x128xi32, #tpu.memory_space<hbm>> -> memref<4x128xi32, #tpu.memory_space<hbm>>
      %dma_start3A_175 = arith.constant 0 : i32
      %dma_start3A_176 = tpu.memref_slice %arg3[%mul3A_6, %dma_start3A_175] : memref<128x128xi32, #tpu.memory_space<hbm>> -> memref<4x128xi32, #tpu.memory_space<hbm>>
      tpu.enqueue_dma source(%dma_start3A_176 : memref<4x128xi32, #tpu.memory_space<hbm>>) target(%arg10 : memref<4x128xi32, #tpu.memory_space<vmem>>) target_semaphore(%run_scoped3A : memref<!tpu.dma_semaphore, #tpu.memory_space<semaphore_mem>>)
      %dma_wait3A_177 = arith.constant 0 : i32
      %dma_wait3A_178 = tpu.memref_slice %arg3[%mul3A_6, %dma_wait3A_177] : memref<128x128xi32, #tpu.memory_space<hbm>> -> memref<4x128xi32, #tpu.memory_space<hbm>>
      %dma_wait3A_179 = arith.constant 0 : i32
      %dma_wait3A_180 = tpu.memref_slice %arg3[%mul3A_6, %dma_wait3A_179] : memref<128x128xi32, #tpu.memory_space<hbm>> -> memref<4x128xi32, #tpu.memory_space<hbm>>
      tpu.wait_dma2 semaphore(%run_scoped3A : memref<!tpu.dma_semaphore, #tpu.memory_space<semaphore_mem>>) src(%dma_wait3A_180 : memref<4x128xi32, #tpu.memory_space<hbm>>) dst(%arg10 : memref<4x128xi32, #tpu.memory_space<vmem>>)
      tpu.yield
    }) : () -> ()
    "tpu.region"() ({
      %run_scoped3A = tpu.sem_alloc : memref<!tpu.dma_semaphore, #tpu.memory_space<semaphore_mem>>
      tpu.enqueue_dma source(%arg6 : memref<16xf32, #tpu.memory_space<hbm>>) target(%arg13 : memref<16xf32, #tpu.memory_space<vmem>>) target_semaphore(%run_scoped3A : memref<!tpu.dma_semaphore, #tpu.memory_space<semaphore_mem>>)
      tpu.wait_dma2 semaphore(%run_scoped3A : memref<!tpu.dma_semaphore, #tpu.memory_space<semaphore_mem>>) src(%arg6 : memref<16xf32, #tpu.memory_space<hbm>>) dst(%arg13 : memref<16xf32, #tpu.memory_space<vmem>>)
      tpu.yield
    }) : () -> ()
    "tpu.region"() ({
      %run_scoped3A = tpu.sem_alloc : memref<!tpu.dma_semaphore, #tpu.memory_space<semaphore_mem>>
      tpu.enqueue_dma source(%arg7 : memref<16xf32, #tpu.memory_space<hbm>>) target(%arg14 : memref<16xf32, #tpu.memory_space<vmem>>) target_semaphore(%run_scoped3A : memref<!tpu.dma_semaphore, #tpu.memory_space<semaphore_mem>>)
      tpu.wait_dma2 semaphore(%run_scoped3A : memref<!tpu.dma_semaphore, #tpu.memory_space<semaphore_mem>>) src(%arg7 : memref<16xf32, #tpu.memory_space<hbm>>) dst(%arg14 : memref<16xf32, #tpu.memory_space<vmem>>)
      tpu.yield
    }) : () -> ()
    %dma_start3A = arith.constant 0 : i32
    %dma_start3A_7 = arith.constant 0 : i32
    %dma_start3A_8 = arith.constant 0 : i32
    %dma_start3A_9 = tpu.memref_slice %arg11[%dma_start3A_7, %dma_start3A_8] : memref<512x16xf32, #tpu.memory_space<vmem>> -> memref<128x16xf32, #tpu.memory_space<vmem>>
    %dma_start3A_10 = arith.constant 0 : i32
    %dma_start3A_11 = tpu.memref_slice %arg9[%dma_start3A, %dma_start3A_10] : memref<4x128xi32, #tpu.memory_space<vmem>> -> memref<1x128xi32, #tpu.memory_space<vmem>>
    %dma_start3A_12 = tpu.memref_squeeze %dma_start3A_11 : memref<1x128xi32, #tpu.memory_space<vmem>> -> memref<128xi32, #tpu.memory_space<vmem>>
    %dma_start3A_13 = arith.constant 0 : i32
    %dma_start3A_14 = arith.constant 0 : i32
    %dma_start3A_15 = tpu.memref_slice %arg4[%dma_start3A_13, %dma_start3A_14] : memref<1000000x16xf32, #tpu.memory_space<hbm>> -> memref<1000000x16xf32, #tpu.memory_space<hbm>>
    tpu.enqueue_indirect_dma source(%dma_start3A_15 : memref<1000000x16xf32, #tpu.memory_space<hbm>>) target(%dma_start3A_9 : memref<128x16xf32, #tpu.memory_space<vmem>>) offsets(%dma_start3A_12 : memref<128xi32, #tpu.memory_space<vmem>>) semaphore(%arg16 : memref<!tpu.dma_semaphore, #tpu.memory_space<semaphore_mem>>)
    %dma_start3A_16 = arith.constant 0 : i32
    %dma_start3A_17 = arith.constant 0 : i32
    %dma_start3A_18 = arith.constant 0 : i32
    %dma_start3A_19 = tpu.memref_slice %arg12[%dma_start3A_17, %dma_start3A_18] : memref<512x16xf32, #tpu.memory_space<vmem>> -> memref<128x16xf32, #tpu.memory_space<vmem>>
    %dma_start3A_20 = arith.constant 0 : i32
    %dma_start3A_21 = tpu.memref_slice %arg10[%dma_start3A_16, %dma_start3A_20] : memref<4x128xi32, #tpu.memory_space<vmem>> -> memref<1x128xi32, #tpu.memory_space<vmem>>
    %dma_start3A_22 = tpu.memref_squeeze %dma_start3A_21 : memref<1x128xi32, #tpu.memory_space<vmem>> -> memref<128xi32, #tpu.memory_space<vmem>>
    %dma_start3A_23 = arith.constant 0 : i32
    %dma_start3A_24 = arith.constant 0 : i32
    %dma_start3A_25 = tpu.memref_slice %arg5[%dma_start3A_23, %dma_start3A_24] : memref<100000x16xf32, #tpu.memory_space<hbm>> -> memref<100000x16xf32, #tpu.memory_space<hbm>>
    tpu.enqueue_indirect_dma source(%dma_start3A_25 : memref<100000x16xf32, #tpu.memory_space<hbm>>) target(%dma_start3A_19 : memref<128x16xf32, #tpu.memory_space<vmem>>) offsets(%dma_start3A_22 : memref<128xi32, #tpu.memory_space<vmem>>) semaphore(%arg16 : memref<!tpu.dma_semaphore, #tpu.memory_space<semaphore_mem>>)
    %dma_start3A_26 = arith.constant 1 : i32
    %dma_start3A_27 = arith.constant 128 : i32
    %dma_start3A_28 = arith.constant 0 : i32
    %dma_start3A_29 = tpu.memref_slice %arg11[%dma_start3A_27, %dma_start3A_28] : memref<512x16xf32, #tpu.memory_space<vmem>> -> memref<128x16xf32, #tpu.memory_space<vmem>>
    %dma_start3A_30 = arith.constant 0 : i32
    %dma_start3A_31 = tpu.memref_slice %arg9[%dma_start3A_26, %dma_start3A_30] : memref<4x128xi32, #tpu.memory_space<vmem>> -> memref<1x128xi32, #tpu.memory_space<vmem>>
    %dma_start3A_32 = tpu.memref_squeeze %dma_start3A_31 : memref<1x128xi32, #tpu.memory_space<vmem>> -> memref<128xi32, #tpu.memory_space<vmem>>
    %dma_start3A_33 = arith.constant 0 : i32
    %dma_start3A_34 = arith.constant 0 : i32
    %dma_start3A_35 = tpu.memref_slice %arg4[%dma_start3A_33, %dma_start3A_34] : memref<1000000x16xf32, #tpu.memory_space<hbm>> -> memref<1000000x16xf32, #tpu.memory_space<hbm>>
    tpu.enqueue_indirect_dma source(%dma_start3A_35 : memref<1000000x16xf32, #tpu.memory_space<hbm>>) target(%dma_start3A_29 : memref<128x16xf32, #tpu.memory_space<vmem>>) offsets(%dma_start3A_32 : memref<128xi32, #tpu.memory_space<vmem>>) semaphore(%arg16 : memref<!tpu.dma_semaphore, #tpu.memory_space<semaphore_mem>>)
    %dma_start3A_36 = arith.constant 1 : i32
    %dma_start3A_37 = arith.constant 128 : i32
    %dma_start3A_38 = arith.constant 0 : i32
    %dma_start3A_39 = tpu.memref_slice %arg12[%dma_start3A_37, %dma_start3A_38] : memref<512x16xf32, #tpu.memory_space<vmem>> -> memref<128x16xf32, #tpu.memory_space<vmem>>
    %dma_start3A_40 = arith.constant 0 : i32
    %dma_start3A_41 = tpu.memref_slice %arg10[%dma_start3A_36, %dma_start3A_40] : memref<4x128xi32, #tpu.memory_space<vmem>> -> memref<1x128xi32, #tpu.memory_space<vmem>>
    %dma_start3A_42 = tpu.memref_squeeze %dma_start3A_41 : memref<1x128xi32, #tpu.memory_space<vmem>> -> memref<128xi32, #tpu.memory_space<vmem>>
    %dma_start3A_43 = arith.constant 0 : i32
    %dma_start3A_44 = arith.constant 0 : i32
    %dma_start3A_45 = tpu.memref_slice %arg5[%dma_start3A_43, %dma_start3A_44] : memref<100000x16xf32, #tpu.memory_space<hbm>> -> memref<100000x16xf32, #tpu.memory_space<hbm>>
    tpu.enqueue_indirect_dma source(%dma_start3A_45 : memref<100000x16xf32, #tpu.memory_space<hbm>>) target(%dma_start3A_39 : memref<128x16xf32, #tpu.memory_space<vmem>>) offsets(%dma_start3A_42 : memref<128xi32, #tpu.memory_space<vmem>>) semaphore(%arg16 : memref<!tpu.dma_semaphore, #tpu.memory_space<semaphore_mem>>)
    %dma_start3A_46 = arith.constant 2 : i32
    %dma_start3A_47 = arith.constant 256 : i32
    %dma_start3A_48 = arith.constant 0 : i32
    %dma_start3A_49 = tpu.memref_slice %arg11[%dma_start3A_47, %dma_start3A_48] : memref<512x16xf32, #tpu.memory_space<vmem>> -> memref<128x16xf32, #tpu.memory_space<vmem>>
    %dma_start3A_50 = arith.constant 0 : i32
    %dma_start3A_51 = tpu.memref_slice %arg9[%dma_start3A_46, %dma_start3A_50] : memref<4x128xi32, #tpu.memory_space<vmem>> -> memref<1x128xi32, #tpu.memory_space<vmem>>
    %dma_start3A_52 = tpu.memref_squeeze %dma_start3A_51 : memref<1x128xi32, #tpu.memory_space<vmem>> -> memref<128xi32, #tpu.memory_space<vmem>>
    %dma_start3A_53 = arith.constant 0 : i32
    %dma_start3A_54 = arith.constant 0 : i32
    %dma_start3A_55 = tpu.memref_slice %arg4[%dma_start3A_53, %dma_start3A_54] : memref<1000000x16xf32, #tpu.memory_space<hbm>> -> memref<1000000x16xf32, #tpu.memory_space<hbm>>
    tpu.enqueue_indirect_dma source(%dma_start3A_55 : memref<1000000x16xf32, #tpu.memory_space<hbm>>) target(%dma_start3A_49 : memref<128x16xf32, #tpu.memory_space<vmem>>) offsets(%dma_start3A_52 : memref<128xi32, #tpu.memory_space<vmem>>) semaphore(%arg16 : memref<!tpu.dma_semaphore, #tpu.memory_space<semaphore_mem>>)
    %dma_start3A_56 = arith.constant 2 : i32
    %dma_start3A_57 = arith.constant 256 : i32
    %dma_start3A_58 = arith.constant 0 : i32
    %dma_start3A_59 = tpu.memref_slice %arg12[%dma_start3A_57, %dma_start3A_58] : memref<512x16xf32, #tpu.memory_space<vmem>> -> memref<128x16xf32, #tpu.memory_space<vmem>>
    %dma_start3A_60 = arith.constant 0 : i32
    %dma_start3A_61 = tpu.memref_slice %arg10[%dma_start3A_56, %dma_start3A_60] : memref<4x128xi32, #tpu.memory_space<vmem>> -> memref<1x128xi32, #tpu.memory_space<vmem>>
    %dma_start3A_62 = tpu.memref_squeeze %dma_start3A_61 : memref<1x128xi32, #tpu.memory_space<vmem>> -> memref<128xi32, #tpu.memory_space<vmem>>
    %dma_start3A_63 = arith.constant 0 : i32
    %dma_start3A_64 = arith.constant 0 : i32
    %dma_start3A_65 = tpu.memref_slice %arg5[%dma_start3A_63, %dma_start3A_64] : memref<100000x16xf32, #tpu.memory_space<hbm>> -> memref<100000x16xf32, #tpu.memory_space<hbm>>
    tpu.enqueue_indirect_dma source(%dma_start3A_65 : memref<100000x16xf32, #tpu.memory_space<hbm>>) target(%dma_start3A_59 : memref<128x16xf32, #tpu.memory_space<vmem>>) offsets(%dma_start3A_62 : memref<128xi32, #tpu.memory_space<vmem>>) semaphore(%arg16 : memref<!tpu.dma_semaphore, #tpu.memory_space<semaphore_mem>>)
    %dma_start3A_66 = arith.constant 3 : i32
    %dma_start3A_67 = arith.constant 384 : i32
    %dma_start3A_68 = arith.constant 0 : i32
    %dma_start3A_69 = tpu.memref_slice %arg11[%dma_start3A_67, %dma_start3A_68] : memref<512x16xf32, #tpu.memory_space<vmem>> -> memref<128x16xf32, #tpu.memory_space<vmem>>
    %dma_start3A_70 = arith.constant 0 : i32
    %dma_start3A_71 = tpu.memref_slice %arg9[%dma_start3A_66, %dma_start3A_70] : memref<4x128xi32, #tpu.memory_space<vmem>> -> memref<1x128xi32, #tpu.memory_space<vmem>>
    %dma_start3A_72 = tpu.memref_squeeze %dma_start3A_71 : memref<1x128xi32, #tpu.memory_space<vmem>> -> memref<128xi32, #tpu.memory_space<vmem>>
    %dma_start3A_73 = arith.constant 0 : i32
    %dma_start3A_74 = arith.constant 0 : i32
    %dma_start3A_75 = tpu.memref_slice %arg4[%dma_start3A_73, %dma_start3A_74] : memref<1000000x16xf32, #tpu.memory_space<hbm>> -> memref<1000000x16xf32, #tpu.memory_space<hbm>>
    tpu.enqueue_indirect_dma source(%dma_start3A_75 : memref<1000000x16xf32, #tpu.memory_space<hbm>>) target(%dma_start3A_69 : memref<128x16xf32, #tpu.memory_space<vmem>>) offsets(%dma_start3A_72 : memref<128xi32, #tpu.memory_space<vmem>>) semaphore(%arg16 : memref<!tpu.dma_semaphore, #tpu.memory_space<semaphore_mem>>)
    %dma_start3A_76 = arith.constant 3 : i32
    %dma_start3A_77 = arith.constant 384 : i32
    %dma_start3A_78 = arith.constant 0 : i32
    %dma_start3A_79 = tpu.memref_slice %arg12[%dma_start3A_77, %dma_start3A_78] : memref<512x16xf32, #tpu.memory_space<vmem>> -> memref<128x16xf32, #tpu.memory_space<vmem>>
    %dma_start3A_80 = arith.constant 0 : i32
    %dma_start3A_81 = tpu.memref_slice %arg10[%dma_start3A_76, %dma_start3A_80] : memref<4x128xi32, #tpu.memory_space<vmem>> -> memref<1x128xi32, #tpu.memory_space<vmem>>
    %dma_start3A_82 = tpu.memref_squeeze %dma_start3A_81 : memref<1x128xi32, #tpu.memory_space<vmem>> -> memref<128xi32, #tpu.memory_space<vmem>>
    %dma_start3A_83 = arith.constant 0 : i32
    %dma_start3A_84 = arith.constant 0 : i32
    %dma_start3A_85 = tpu.memref_slice %arg5[%dma_start3A_83, %dma_start3A_84] : memref<100000x16xf32, #tpu.memory_space<hbm>> -> memref<100000x16xf32, #tpu.memory_space<hbm>>
    tpu.enqueue_indirect_dma source(%dma_start3A_85 : memref<100000x16xf32, #tpu.memory_space<hbm>>) target(%dma_start3A_79 : memref<128x16xf32, #tpu.memory_space<vmem>>) offsets(%dma_start3A_82 : memref<128xi32, #tpu.memory_space<vmem>>) semaphore(%arg16 : memref<!tpu.dma_semaphore, #tpu.memory_space<semaphore_mem>>)
    %dma_wait3A = arith.constant 0 : i32
    %dma_wait3A_86 = arith.constant 0 : i32
    %dma_wait3A_87 = arith.constant 0 : i32
    %dma_wait3A_88 = tpu.memref_slice %arg11[%dma_wait3A_86, %dma_wait3A_87] : memref<512x16xf32, #tpu.memory_space<vmem>> -> memref<128x16xf32, #tpu.memory_space<vmem>>
    %dma_wait3A_89 = arith.constant 0 : i32
    %dma_wait3A_90 = tpu.memref_slice %arg9[%dma_wait3A, %dma_wait3A_89] : memref<4x128xi32, #tpu.memory_space<vmem>> -> memref<1x128xi32, #tpu.memory_space<vmem>>
    %dma_wait3A_91 = tpu.memref_squeeze %dma_wait3A_90 : memref<1x128xi32, #tpu.memory_space<vmem>> -> memref<128xi32, #tpu.memory_space<vmem>>
    %dma_wait3A_92 = arith.constant 0 : i32
    %dma_wait3A_93 = arith.constant 0 : i32
    %dma_wait3A_94 = tpu.memref_slice %arg4[%dma_wait3A_92, %dma_wait3A_93] : memref<1000000x16xf32, #tpu.memory_space<hbm>> -> memref<1000000x16xf32, #tpu.memory_space<hbm>>
    tpu.wait_indirect_dma semaphore(%arg16 : memref<!tpu.dma_semaphore, #tpu.memory_space<semaphore_mem>>) src(%dma_wait3A_94 : memref<1000000x16xf32, #tpu.memory_space<hbm>>) dst(%dma_wait3A_88 : memref<128x16xf32, #tpu.memory_space<vmem>>)
    %dma_wait3A_95 = arith.constant 0 : i32
    %dma_wait3A_96 = arith.constant 0 : i32
    %dma_wait3A_97 = arith.constant 0 : i32
    %dma_wait3A_98 = tpu.memref_slice %arg12[%dma_wait3A_96, %dma_wait3A_97] : memref<512x16xf32, #tpu.memory_space<vmem>> -> memref<128x16xf32, #tpu.memory_space<vmem>>
    %dma_wait3A_99 = arith.constant 0 : i32
    %dma_wait3A_100 = tpu.memref_slice %arg10[%dma_wait3A_95, %dma_wait3A_99] : memref<4x128xi32, #tpu.memory_space<vmem>> -> memref<1x128xi32, #tpu.memory_space<vmem>>
    %dma_wait3A_101 = tpu.memref_squeeze %dma_wait3A_100 : memref<1x128xi32, #tpu.memory_space<vmem>> -> memref<128xi32, #tpu.memory_space<vmem>>
    %dma_wait3A_102 = arith.constant 0 : i32
    %dma_wait3A_103 = arith.constant 0 : i32
    %dma_wait3A_104 = tpu.memref_slice %arg5[%dma_wait3A_102, %dma_wait3A_103] : memref<100000x16xf32, #tpu.memory_space<hbm>> -> memref<100000x16xf32, #tpu.memory_space<hbm>>
    tpu.wait_indirect_dma semaphore(%arg16 : memref<!tpu.dma_semaphore, #tpu.memory_space<semaphore_mem>>) src(%dma_wait3A_104 : memref<100000x16xf32, #tpu.memory_space<hbm>>) dst(%dma_wait3A_98 : memref<128x16xf32, #tpu.memory_space<vmem>>)
    %dma_wait3A_105 = arith.constant 1 : i32
    %dma_wait3A_106 = arith.constant 128 : i32
    %dma_wait3A_107 = arith.constant 0 : i32
    %dma_wait3A_108 = tpu.memref_slice %arg11[%dma_wait3A_106, %dma_wait3A_107] : memref<512x16xf32, #tpu.memory_space<vmem>> -> memref<128x16xf32, #tpu.memory_space<vmem>>
    %dma_wait3A_109 = arith.constant 0 : i32
    %dma_wait3A_110 = tpu.memref_slice %arg9[%dma_wait3A_105, %dma_wait3A_109] : memref<4x128xi32, #tpu.memory_space<vmem>> -> memref<1x128xi32, #tpu.memory_space<vmem>>
    %dma_wait3A_111 = tpu.memref_squeeze %dma_wait3A_110 : memref<1x128xi32, #tpu.memory_space<vmem>> -> memref<128xi32, #tpu.memory_space<vmem>>
    %dma_wait3A_112 = arith.constant 0 : i32
    %dma_wait3A_113 = arith.constant 0 : i32
    %dma_wait3A_114 = tpu.memref_slice %arg4[%dma_wait3A_112, %dma_wait3A_113] : memref<1000000x16xf32, #tpu.memory_space<hbm>> -> memref<1000000x16xf32, #tpu.memory_space<hbm>>
    tpu.wait_indirect_dma semaphore(%arg16 : memref<!tpu.dma_semaphore, #tpu.memory_space<semaphore_mem>>) src(%dma_wait3A_114 : memref<1000000x16xf32, #tpu.memory_space<hbm>>) dst(%dma_wait3A_108 : memref<128x16xf32, #tpu.memory_space<vmem>>)
    %dma_wait3A_115 = arith.constant 1 : i32
    %dma_wait3A_116 = arith.constant 128 : i32
    %dma_wait3A_117 = arith.constant 0 : i32
    %dma_wait3A_118 = tpu.memref_slice %arg12[%dma_wait3A_116, %dma_wait3A_117] : memref<512x16xf32, #tpu.memory_space<vmem>> -> memref<128x16xf32, #tpu.memory_space<vmem>>
    %dma_wait3A_119 = arith.constant 0 : i32
    %dma_wait3A_120 = tpu.memref_slice %arg10[%dma_wait3A_115, %dma_wait3A_119] : memref<4x128xi32, #tpu.memory_space<vmem>> -> memref<1x128xi32, #tpu.memory_space<vmem>>
    %dma_wait3A_121 = tpu.memref_squeeze %dma_wait3A_120 : memref<1x128xi32, #tpu.memory_space<vmem>> -> memref<128xi32, #tpu.memory_space<vmem>>
    %dma_wait3A_122 = arith.constant 0 : i32
    %dma_wait3A_123 = arith.constant 0 : i32
    %dma_wait3A_124 = tpu.memref_slice %arg5[%dma_wait3A_122, %dma_wait3A_123] : memref<100000x16xf32, #tpu.memory_space<hbm>> -> memref<100000x16xf32, #tpu.memory_space<hbm>>
    tpu.wait_indirect_dma semaphore(%arg16 : memref<!tpu.dma_semaphore, #tpu.memory_space<semaphore_mem>>) src(%dma_wait3A_124 : memref<100000x16xf32, #tpu.memory_space<hbm>>) dst(%dma_wait3A_118 : memref<128x16xf32, #tpu.memory_space<vmem>>)
    %dma_wait3A_125 = arith.constant 2 : i32
    %dma_wait3A_126 = arith.constant 256 : i32
    %dma_wait3A_127 = arith.constant 0 : i32
    %dma_wait3A_128 = tpu.memref_slice %arg11[%dma_wait3A_126, %dma_wait3A_127] : memref<512x16xf32, #tpu.memory_space<vmem>> -> memref<128x16xf32, #tpu.memory_space<vmem>>
    %dma_wait3A_129 = arith.constant 0 : i32
    %dma_wait3A_130 = tpu.memref_slice %arg9[%dma_wait3A_125, %dma_wait3A_129] : memref<4x128xi32, #tpu.memory_space<vmem>> -> memref<1x128xi32, #tpu.memory_space<vmem>>
    %dma_wait3A_131 = tpu.memref_squeeze %dma_wait3A_130 : memref<1x128xi32, #tpu.memory_space<vmem>> -> memref<128xi32, #tpu.memory_space<vmem>>
    %dma_wait3A_132 = arith.constant 0 : i32
    %dma_wait3A_133 = arith.constant 0 : i32
    %dma_wait3A_134 = tpu.memref_slice %arg4[%dma_wait3A_132, %dma_wait3A_133] : memref<1000000x16xf32, #tpu.memory_space<hbm>> -> memref<1000000x16xf32, #tpu.memory_space<hbm>>
    tpu.wait_indirect_dma semaphore(%arg16 : memref<!tpu.dma_semaphore, #tpu.memory_space<semaphore_mem>>) src(%dma_wait3A_134 : memref<1000000x16xf32, #tpu.memory_space<hbm>>) dst(%dma_wait3A_128 : memref<128x16xf32, #tpu.memory_space<vmem>>)
    %dma_wait3A_135 = arith.constant 2 : i32
    %dma_wait3A_136 = arith.constant 256 : i32
    %dma_wait3A_137 = arith.constant 0 : i32
    %dma_wait3A_138 = tpu.memref_slice %arg12[%dma_wait3A_136, %dma_wait3A_137] : memref<512x16xf32, #tpu.memory_space<vmem>> -> memref<128x16xf32, #tpu.memory_space<vmem>>
    %dma_wait3A_139 = arith.constant 0 : i32
    %dma_wait3A_140 = tpu.memref_slice %arg10[%dma_wait3A_135, %dma_wait3A_139] : memref<4x128xi32, #tpu.memory_space<vmem>> -> memref<1x128xi32, #tpu.memory_space<vmem>>
    %dma_wait3A_141 = tpu.memref_squeeze %dma_wait3A_140 : memref<1x128xi32, #tpu.memory_space<vmem>> -> memref<128xi32, #tpu.memory_space<vmem>>
    %dma_wait3A_142 = arith.constant 0 : i32
    %dma_wait3A_143 = arith.constant 0 : i32
    %dma_wait3A_144 = tpu.memref_slice %arg5[%dma_wait3A_142, %dma_wait3A_143] : memref<100000x16xf32, #tpu.memory_space<hbm>> -> memref<100000x16xf32, #tpu.memory_space<hbm>>
    tpu.wait_indirect_dma semaphore(%arg16 : memref<!tpu.dma_semaphore, #tpu.memory_space<semaphore_mem>>) src(%dma_wait3A_144 : memref<100000x16xf32, #tpu.memory_space<hbm>>) dst(%dma_wait3A_138 : memref<128x16xf32, #tpu.memory_space<vmem>>)
    %dma_wait3A_145 = arith.constant 3 : i32
    %dma_wait3A_146 = arith.constant 384 : i32
    %dma_wait3A_147 = arith.constant 0 : i32
    %dma_wait3A_148 = tpu.memref_slice %arg11[%dma_wait3A_146, %dma_wait3A_147] : memref<512x16xf32, #tpu.memory_space<vmem>> -> memref<128x16xf32, #tpu.memory_space<vmem>>
    %dma_wait3A_149 = arith.constant 0 : i32
    %dma_wait3A_150 = tpu.memref_slice %arg9[%dma_wait3A_145, %dma_wait3A_149] : memref<4x128xi32, #tpu.memory_space<vmem>> -> memref<1x128xi32, #tpu.memory_space<vmem>>
    %dma_wait3A_151 = tpu.memref_squeeze %dma_wait3A_150 : memref<1x128xi32, #tpu.memory_space<vmem>> -> memref<128xi32, #tpu.memory_space<vmem>>
    %dma_wait3A_152 = arith.constant 0 : i32
    %dma_wait3A_153 = arith.constant 0 : i32
    %dma_wait3A_154 = tpu.memref_slice %arg4[%dma_wait3A_152, %dma_wait3A_153] : memref<1000000x16xf32, #tpu.memory_space<hbm>> -> memref<1000000x16xf32, #tpu.memory_space<hbm>>
    tpu.wait_indirect_dma semaphore(%arg16 : memref<!tpu.dma_semaphore, #tpu.memory_space<semaphore_mem>>) src(%dma_wait3A_154 : memref<1000000x16xf32, #tpu.memory_space<hbm>>) dst(%dma_wait3A_148 : memref<128x16xf32, #tpu.memory_space<vmem>>)
    %dma_wait3A_155 = arith.constant 3 : i32
    %dma_wait3A_156 = arith.constant 384 : i32
    %dma_wait3A_157 = arith.constant 0 : i32
    %dma_wait3A_158 = tpu.memref_slice %arg12[%dma_wait3A_156, %dma_wait3A_157] : memref<512x16xf32, #tpu.memory_space<vmem>> -> memref<128x16xf32, #tpu.memory_space<vmem>>
    %dma_wait3A_159 = arith.constant 0 : i32
    %dma_wait3A_160 = tpu.memref_slice %arg10[%dma_wait3A_155, %dma_wait3A_159] : memref<4x128xi32, #tpu.memory_space<vmem>> -> memref<1x128xi32, #tpu.memory_space<vmem>>
    %dma_wait3A_161 = tpu.memref_squeeze %dma_wait3A_160 : memref<1x128xi32, #tpu.memory_space<vmem>> -> memref<128xi32, #tpu.memory_space<vmem>>
    %dma_wait3A_162 = arith.constant 0 : i32
    %dma_wait3A_163 = arith.constant 0 : i32
    %dma_wait3A_164 = tpu.memref_slice %arg5[%dma_wait3A_162, %dma_wait3A_163] : memref<100000x16xf32, #tpu.memory_space<hbm>> -> memref<100000x16xf32, #tpu.memory_space<hbm>>
    tpu.wait_indirect_dma semaphore(%arg16 : memref<!tpu.dma_semaphore, #tpu.memory_space<semaphore_mem>>) src(%dma_wait3A_164 : memref<100000x16xf32, #tpu.memory_space<hbm>>) dst(%dma_wait3A_158 : memref<128x16xf32, #tpu.memory_space<vmem>>)
    %get3A = arith.constant 0 : index
    %get3A_165 = tpu.vector_load %arg13[%get3A] {strides = array<i32>} : memref<16xf32, #tpu.memory_space<vmem>>, vector<16xf32>,
    %get3A_166 = arith.constant 0 : index
    %get3A_167 = tpu.vector_load %arg14[%get3A_166] {strides = array<i32>} : memref<16xf32, #tpu.memory_space<vmem>>, vector<16xf32>,
    %iota3A = tpu.iota {dimensions = array<i32: 0>} : vector<16xi32>
    %scan3A = arith.constant 0 : i32
    %scan3A_168 = arith.constant 0 : i32
    %scan3A_169 = arith.constant 32 : i32
    %scan3A_170 = arith.addi %scan3A_168, %scan3A_169 : i32
    %scan3A_171 = arith.constant 1 : i32
    scf.for %scan3A_173 = %scan3A_168 to %scan3A_170 step %scan3A_171  : i32 {
      %mul3A_174 = arith.constant 16 : i32
      %mul3A_175 = arith.muli %scan3A_173, %mul3A_174 : i32
      %add3A_176 = vector.broadcast %mul3A_175 : i32 to vector<16xi32>
      %add3A_177 = arith.addi %add3A_176, %iota3A : vector<16xi32>
      %broadcast_in_dim3A = arith.constant 0 : i32
      %broadcast_in_dim3A_178 = vector.broadcast %broadcast_in_dim3A : i32 to vector<16xi32>
      %gather3A = tpu.vector_load_idx %arg11[%add3A_177, %broadcast_in_dim3A_178] : memref<512x16xf32, #tpu.memory_space<vmem>>[vector<16xi32>, vector<16xi32>], vector<16xf32>,
      %gather3A_179 = tpu.vector_load_idx %arg12[%add3A_177, %broadcast_in_dim3A_178] : memref<512x16xf32, #tpu.memory_space<vmem>>[vector<16xi32>, vector<16xi32>], vector<16xf32>,
      %mul3A_180 = arith.mulf %gather3A, %gather3A_179 : vector<16xf32>
      %slice3A = vector.extract_strided_slice %get3A_165 {offsets = [0], sizes = [1], strides = [1]} : vector<16xf32> to vector<1xf32>
      %squeeze3A = vector.extract %slice3A[0] : f32 from vector<1xf32>
      %mul3A_181 = vector.broadcast %squeeze3A : f32 to vector<16xf32>
      %mul3A_182 = arith.mulf %mul3A_180, %mul3A_181 : vector<16xf32>
      %add3A_183 = arith.addf %get3A_167, %mul3A_182 : vector<16xf32>
      %broadcast_in_dim3A_184 = arith.constant 1 : i32
      %broadcast_in_dim3A_185 = vector.broadcast %broadcast_in_dim3A_184 : i32 to vector<16xi32>
      %gather3A_186 = tpu.vector_load_idx %arg11[%add3A_177, %broadcast_in_dim3A_185] : memref<512x16xf32, #tpu.memory_space<vmem>>[vector<16xi32>, vector<16xi32>], vector<16xf32>,
      %gather3A_187 = tpu.vector_load_idx %arg12[%add3A_177, %broadcast_in_dim3A_185] : memref<512x16xf32, #tpu.memory_space<vmem>>[vector<16xi32>, vector<16xi32>], vector<16xf32>,
      %mul3A_188 = arith.mulf %gather3A_186, %gather3A_187 : vector<16xf32>
      %slice3A_189 = vector.extract_strided_slice %get3A_165 {offsets = [1], sizes = [1], strides = [1]} : vector<16xf32> to vector<1xf32>
      %squeeze3A_190 = vector.extract %slice3A_189[0] : f32 from vector<1xf32>
      %mul3A_191 = vector.broadcast %squeeze3A_190 : f32 to vector<16xf32>
      %mul3A_192 = arith.mulf %mul3A_188, %mul3A_191 : vector<16xf32>
      %add3A_193 = arith.addf %add3A_183, %mul3A_192 : vector<16xf32>
      %broadcast_in_dim3A_194 = arith.constant 2 : i32
      %broadcast_in_dim3A_195 = vector.broadcast %broadcast_in_dim3A_194 : i32 to vector<16xi32>
      %gather3A_196 = tpu.vector_load_idx %arg11[%add3A_177, %broadcast_in_dim3A_195] : memref<512x16xf32, #tpu.memory_space<vmem>>[vector<16xi32>, vector<16xi32>], vector<16xf32>,
      %gather3A_197 = tpu.vector_load_idx %arg12[%add3A_177, %broadcast_in_dim3A_195] : memref<512x16xf32, #tpu.memory_space<vmem>>[vector<16xi32>, vector<16xi32>], vector<16xf32>,
      %mul3A_198 = arith.mulf %gather3A_196, %gather3A_197 : vector<16xf32>
      %slice3A_199 = vector.extract_strided_slice %get3A_165 {offsets = [2], sizes = [1], strides = [1]} : vector<16xf32> to vector<1xf32>
      %squeeze3A_200 = vector.extract %slice3A_199[0] : f32 from vector<1xf32>
      %mul3A_201 = vector.broadcast %squeeze3A_200 : f32 to vector<16xf32>
      %mul3A_202 = arith.mulf %mul3A_198, %mul3A_201 : vector<16xf32>
      %add3A_203 = arith.addf %add3A_193, %mul3A_202 : vector<16xf32>
      %broadcast_in_dim3A_204 = arith.constant 3 : i32
      %broadcast_in_dim3A_205 = vector.broadcast %broadcast_in_dim3A_204 : i32 to vector<16xi32>
      %gather3A_206 = tpu.vector_load_idx %arg11[%add3A_177, %broadcast_in_dim3A_205] : memref<512x16xf32, #tpu.memory_space<vmem>>[vector<16xi32>, vector<16xi32>], vector<16xf32>,
      %gather3A_207 = tpu.vector_load_idx %arg12[%add3A_177, %broadcast_in_dim3A_205] : memref<512x16xf32, #tpu.memory_space<vmem>>[vector<16xi32>, vector<16xi32>], vector<16xf32>,
      %mul3A_208 = arith.mulf %gather3A_206, %gather3A_207 : vector<16xf32>
      %slice3A_209 = vector.extract_strided_slice %get3A_165 {offsets = [3], sizes = [1], strides = [1]} : vector<16xf32> to vector<1xf32>
      %squeeze3A_210 = vector.extract %slice3A_209[0] : f32 from vector<1xf32>
      %mul3A_211 = vector.broadcast %squeeze3A_210 : f32 to vector<16xf32>
      %mul3A_212 = arith.mulf %mul3A_208, %mul3A_211 : vector<16xf32>
      %add3A_213 = arith.addf %add3A_203, %mul3A_212 : vector<16xf32>
      %broadcast_in_dim3A_214 = arith.constant 4 : i32
      %broadcast_in_dim3A_215 = vector.broadcast %broadcast_in_dim3A_214 : i32 to vector<16xi32>
      %gather3A_216 = tpu.vector_load_idx %arg11[%add3A_177, %broadcast_in_dim3A_215] : memref<512x16xf32, #tpu.memory_space<vmem>>[vector<16xi32>, vector<16xi32>], vector<16xf32>,
      %gather3A_217 = tpu.vector_load_idx %arg12[%add3A_177, %broadcast_in_dim3A_215] : memref<512x16xf32, #tpu.memory_space<vmem>>[vector<16xi32>, vector<16xi32>], vector<16xf32>,
      %mul3A_218 = arith.mulf %gather3A_216, %gather3A_217 : vector<16xf32>
      %slice3A_219 = vector.extract_strided_slice %get3A_165 {offsets = [4], sizes = [1], strides = [1]} : vector<16xf32> to vector<1xf32>
      %squeeze3A_220 = vector.extract %slice3A_219[0] : f32 from vector<1xf32>
      %mul3A_221 = vector.broadcast %squeeze3A_220 : f32 to vector<16xf32>
      %mul3A_222 = arith.mulf %mul3A_218, %mul3A_221 : vector<16xf32>
      %add3A_223 = arith.addf %add3A_213, %mul3A_222 : vector<16xf32>
      %broadcast_in_dim3A_224 = arith.constant 5 : i32
      %broadcast_in_dim3A_225 = vector.broadcast %broadcast_in_dim3A_224 : i32 to vector<16xi32>
      %gather3A_226 = tpu.vector_load_idx %arg11[%add3A_177, %broadcast_in_dim3A_225] : memref<512x16xf32, #tpu.memory_space<vmem>>[vector<16xi32>, vector<16xi32>], vector<16xf32>,
      %gather3A_227 = tpu.vector_load_idx %arg12[%add3A_177, %broadcast_in_dim3A_225] : memref<512x16xf32, #tpu.memory_space<vmem>>[vector<16xi32>, vector<16xi32>], vector<16xf32>,
      %mul3A_228 = arith.mulf %gather3A_226, %gather3A_227 : vector<16xf32>
      %slice3A_229 = vector.extract_strided_slice %get3A_165 {offsets = [5], sizes = [1], strides = [1]} : vector<16xf32> to vector<1xf32>
      %squeeze3A_230 = vector.extract %slice3A_229[0] : f32 from vector<1xf32>
      %mul3A_231 = vector.broadcast %squeeze3A_230 : f32 to vector<16xf32>
      %mul3A_232 = arith.mulf %mul3A_228, %mul3A_231 : vector<16xf32>
      %add3A_233 = arith.addf %add3A_223, %mul3A_232 : vector<16xf32>
      %broadcast_in_dim3A_234 = arith.constant 6 : i32
      %broadcast_in_dim3A_235 = vector.broadcast %broadcast_in_dim3A_234 : i32 to vector<16xi32>
      %gather3A_236 = tpu.vector_load_idx %arg11[%add3A_177, %broadcast_in_dim3A_235] : memref<512x16xf32, #tpu.memory_space<vmem>>[vector<16xi32>, vector<16xi32>], vector<16xf32>,
      %gather3A_237 = tpu.vector_load_idx %arg12[%add3A_177, %broadcast_in_dim3A_235] : memref<512x16xf32, #tpu.memory_space<vmem>>[vector<16xi32>, vector<16xi32>], vector<16xf32>,
      %mul3A_238 = arith.mulf %gather3A_236, %gather3A_237 : vector<16xf32>
      %slice3A_239 = vector.extract_strided_slice %get3A_165 {offsets = [6], sizes = [1], strides = [1]} : vector<16xf32> to vector<1xf32>
      %squeeze3A_240 = vector.extract %slice3A_239[0] : f32 from vector<1xf32>
      %mul3A_241 = vector.broadcast %squeeze3A_240 : f32 to vector<16xf32>
      %mul3A_242 = arith.mulf %mul3A_238, %mul3A_241 : vector<16xf32>
      %add3A_243 = arith.addf %add3A_233, %mul3A_242 : vector<16xf32>
      %broadcast_in_dim3A_244 = arith.constant 7 : i32
      %broadcast_in_dim3A_245 = vector.broadcast %broadcast_in_dim3A_244 : i32 to vector<16xi32>
      %gather3A_246 = tpu.vector_load_idx %arg11[%add3A_177, %broadcast_in_dim3A_245] : memref<512x16xf32, #tpu.memory_space<vmem>>[vector<16xi32>, vector<16xi32>], vector<16xf32>,
      %gather3A_247 = tpu.vector_load_idx %arg12[%add3A_177, %broadcast_in_dim3A_245] : memref<512x16xf32, #tpu.memory_space<vmem>>[vector<16xi32>, vector<16xi32>], vector<16xf32>,
      %mul3A_248 = arith.mulf %gather3A_246, %gather3A_247 : vector<16xf32>
      %slice3A_249 = vector.extract_strided_slice %get3A_165 {offsets = [7], sizes = [1], strides = [1]} : vector<16xf32> to vector<1xf32>
      %squeeze3A_250 = vector.extract %slice3A_249[0] : f32 from vector<1xf32>
      %mul3A_251 = vector.broadcast %squeeze3A_250 : f32 to vector<16xf32>
      %mul3A_252 = arith.mulf %mul3A_248, %mul3A_251 : vector<16xf32>
      %add3A_253 = arith.addf %add3A_243, %mul3A_252 : vector<16xf32>
      %broadcast_in_dim3A_254 = arith.constant 8 : i32
      %broadcast_in_dim3A_255 = vector.broadcast %broadcast_in_dim3A_254 : i32 to vector<16xi32>
      %gather3A_256 = tpu.vector_load_idx %arg11[%add3A_177, %broadcast_in_dim3A_255] : memref<512x16xf32, #tpu.memory_space<vmem>>[vector<16xi32>, vector<16xi32>], vector<16xf32>,
      %gather3A_257 = tpu.vector_load_idx %arg12[%add3A_177, %broadcast_in_dim3A_255] : memref<512x16xf32, #tpu.memory_space<vmem>>[vector<16xi32>, vector<16xi32>], vector<16xf32>,
      %mul3A_258 = arith.mulf %gather3A_256, %gather3A_257 : vector<16xf32>
      %slice3A_259 = vector.extract_strided_slice %get3A_165 {offsets = [8], sizes = [1], strides = [1]} : vector<16xf32> to vector<1xf32>
      %squeeze3A_260 = vector.extract %slice3A_259[0] : f32 from vector<1xf32>
      %mul3A_261 = vector.broadcast %squeeze3A_260 : f32 to vector<16xf32>
      %mul3A_262 = arith.mulf %mul3A_258, %mul3A_261 : vector<16xf32>
      %add3A_263 = arith.addf %add3A_253, %mul3A_262 : vector<16xf32>
      %broadcast_in_dim3A_264 = arith.constant 9 : i32
      %broadcast_in_dim3A_265 = vector.broadcast %broadcast_in_dim3A_264 : i32 to vector<16xi32>
      %gather3A_266 = tpu.vector_load_idx %arg11[%add3A_177, %broadcast_in_dim3A_265] : memref<512x16xf32, #tpu.memory_space<vmem>>[vector<16xi32>, vector<16xi32>], vector<16xf32>,
      %gather3A_267 = tpu.vector_load_idx %arg12[%add3A_177, %broadcast_in_dim3A_265] : memref<512x16xf32, #tpu.memory_space<vmem>>[vector<16xi32>, vector<16xi32>], vector<16xf32>,
      %mul3A_268 = arith.mulf %gather3A_266, %gather3A_267 : vector<16xf32>
      %slice3A_269 = vector.extract_strided_slice %get3A_165 {offsets = [9], sizes = [1], strides = [1]} : vector<16xf32> to vector<1xf32>
      %squeeze3A_270 = vector.extract %slice3A_269[0] : f32 from vector<1xf32>
      %mul3A_271 = vector.broadcast %squeeze3A_270 : f32 to vector<16xf32>
      %mul3A_272 = arith.mulf %mul3A_268, %mul3A_271 : vector<16xf32>
      %add3A_273 = arith.addf %add3A_263, %mul3A_272 : vector<16xf32>
      %broadcast_in_dim3A_274 = arith.constant 10 : i32
      %broadcast_in_dim3A_275 = vector.broadcast %broadcast_in_dim3A_274 : i32 to vector<16xi32>
      %gather3A_276 = tpu.vector_load_idx %arg11[%add3A_177, %broadcast_in_dim3A_275] : memref<512x16xf32, #tpu.memory_space<vmem>>[vector<16xi32>, vector<16xi32>], vector<16xf32>,
      %gather3A_277 = tpu.vector_load_idx %arg12[%add3A_177, %broadcast_in_dim3A_275] : memref<512x16xf32, #tpu.memory_space<vmem>>[vector<16xi32>, vector<16xi32>], vector<16xf32>,
      %mul3A_278 = arith.mulf %gather3A_276, %gather3A_277 : vector<16xf32>
      %slice3A_279 = vector.extract_strided_slice %get3A_165 {offsets = [10], sizes = [1], strides = [1]} : vector<16xf32> to vector<1xf32>
      %squeeze3A_280 = vector.extract %slice3A_279[0] : f32 from vector<1xf32>
      %mul3A_281 = vector.broadcast %squeeze3A_280 : f32 to vector<16xf32>
      %mul3A_282 = arith.mulf %mul3A_278, %mul3A_281 : vector<16xf32>
      %add3A_283 = arith.addf %add3A_273, %mul3A_282 : vector<16xf32>
      %broadcast_in_dim3A_284 = arith.constant 11 : i32
      %broadcast_in_dim3A_285 = vector.broadcast %broadcast_in_dim3A_284 : i32 to vector<16xi32>
      %gather3A_286 = tpu.vector_load_idx %arg11[%add3A_177, %broadcast_in_dim3A_285] : memref<512x16xf32, #tpu.memory_space<vmem>>[vector<16xi32>, vector<16xi32>], vector<16xf32>,
      %gather3A_287 = tpu.vector_load_idx %arg12[%add3A_177, %broadcast_in_dim3A_285] : memref<512x16xf32, #tpu.memory_space<vmem>>[vector<16xi32>, vector<16xi32>], vector<16xf32>,
      %mul3A_288 = arith.mulf %gather3A_286, %gather3A_287 : vector<16xf32>
      %slice3A_289 = vector.extract_strided_slice %get3A_165 {offsets = [11], sizes = [1], strides = [1]} : vector<16xf32> to vector<1xf32>
      %squeeze3A_290 = vector.extract %slice3A_289[0] : f32 from vector<1xf32>
      %mul3A_291 = vector.broadcast %squeeze3A_290 : f32 to vector<16xf32>
      %mul3A_292 = arith.mulf %mul3A_288, %mul3A_291 : vector<16xf32>
      %add3A_293 = arith.addf %add3A_283, %mul3A_292 : vector<16xf32>
      %broadcast_in_dim3A_294 = arith.constant 12 : i32
      %broadcast_in_dim3A_295 = vector.broadcast %broadcast_in_dim3A_294 : i32 to vector<16xi32>
      %gather3A_296 = tpu.vector_load_idx %arg11[%add3A_177, %broadcast_in_dim3A_295] : memref<512x16xf32, #tpu.memory_space<vmem>>[vector<16xi32>, vector<16xi32>], vector<16xf32>,
      %gather3A_297 = tpu.vector_load_idx %arg12[%add3A_177, %broadcast_in_dim3A_295] : memref<512x16xf32, #tpu.memory_space<vmem>>[vector<16xi32>, vector<16xi32>], vector<16xf32>,
      %mul3A_298 = arith.mulf %gather3A_296, %gather3A_297 : vector<16xf32>
      %slice3A_299 = vector.extract_strided_slice %get3A_165 {offsets = [12], sizes = [1], strides = [1]} : vector<16xf32> to vector<1xf32>
      %squeeze3A_300 = vector.extract %slice3A_299[0] : f32 from vector<1xf32>
      %mul3A_301 = vector.broadcast %squeeze3A_300 : f32 to vector<16xf32>
      %mul3A_302 = arith.mulf %mul3A_298, %mul3A_301 : vector<16xf32>
      %add3A_303 = arith.addf %add3A_293, %mul3A_302 : vector<16xf32>
      %broadcast_in_dim3A_304 = arith.constant 13 : i32
      %broadcast_in_dim3A_305 = vector.broadcast %broadcast_in_dim3A_304 : i32 to vector<16xi32>
      %gather3A_306 = tpu.vector_load_idx %arg11[%add3A_177, %broadcast_in_dim3A_305] : memref<512x16xf32, #tpu.memory_space<vmem>>[vector<16xi32>, vector<16xi32>], vector<16xf32>,
      %gather3A_307 = tpu.vector_load_idx %arg12[%add3A_177, %broadcast_in_dim3A_305] : memref<512x16xf32, #tpu.memory_space<vmem>>[vector<16xi32>, vector<16xi32>], vector<16xf32>,
      %mul3A_308 = arith.mulf %gather3A_306, %gather3A_307 : vector<16xf32>
      %slice3A_309 = vector.extract_strided_slice %get3A_165 {offsets = [13], sizes = [1], strides = [1]} : vector<16xf32> to vector<1xf32>
      %squeeze3A_310 = vector.extract %slice3A_309[0] : f32 from vector<1xf32>
      %mul3A_311 = vector.broadcast %squeeze3A_310 : f32 to vector<16xf32>
      %mul3A_312 = arith.mulf %mul3A_308, %mul3A_311 : vector<16xf32>
      %add3A_313 = arith.addf %add3A_303, %mul3A_312 : vector<16xf32>
      %broadcast_in_dim3A_314 = arith.constant 14 : i32
      %broadcast_in_dim3A_315 = vector.broadcast %broadcast_in_dim3A_314 : i32 to vector<16xi32>
      %gather3A_316 = tpu.vector_load_idx %arg11[%add3A_177, %broadcast_in_dim3A_315] : memref<512x16xf32, #tpu.memory_space<vmem>>[vector<16xi32>, vector<16xi32>], vector<16xf32>,
      %gather3A_317 = tpu.vector_load_idx %arg12[%add3A_177, %broadcast_in_dim3A_315] : memref<512x16xf32, #tpu.memory_space<vmem>>[vector<16xi32>, vector<16xi32>], vector<16xf32>,
      %mul3A_318 = arith.mulf %gather3A_316, %gather3A_317 : vector<16xf32>
      %slice3A_319 = vector.extract_strided_slice %get3A_165 {offsets = [14], sizes = [1], strides = [1]} : vector<16xf32> to vector<1xf32>
      %squeeze3A_320 = vector.extract %slice3A_319[0] : f32 from vector<1xf32>
      %mul3A_321 = vector.broadcast %squeeze3A_320 : f32 to vector<16xf32>
      %mul3A_322 = arith.mulf %mul3A_318, %mul3A_321 : vector<16xf32>
      %add3A_323 = arith.addf %add3A_313, %mul3A_322 : vector<16xf32>
      %broadcast_in_dim3A_324 = arith.constant 15 : i32
      %broadcast_in_dim3A_325 = vector.broadcast %broadcast_in_dim3A_324 : i32 to vector<16xi32>
      %gather3A_326 = tpu.vector_load_idx %arg11[%add3A_177, %broadcast_in_dim3A_325] : memref<512x16xf32, #tpu.memory_space<vmem>>[vector<16xi32>, vector<16xi32>], vector<16xf32>,
      %gather3A_327 = tpu.vector_load_idx %arg12[%add3A_177, %broadcast_in_dim3A_325] : memref<512x16xf32, #tpu.memory_space<vmem>>[vector<16xi32>, vector<16xi32>], vector<16xf32>,
      %mul3A_328 = arith.mulf %gather3A_326, %gather3A_327 : vector<16xf32>
      %slice3A_329 = vector.extract_strided_slice %get3A_165 {offsets = [15], sizes = [1], strides = [1]} : vector<16xf32> to vector<1xf32>
      %squeeze3A_330 = vector.extract %slice3A_329[0] : f32 from vector<1xf32>
      %mul3A_331 = vector.broadcast %squeeze3A_330 : f32 to vector<16xf32>
      %mul3A_332 = arith.mulf %mul3A_328, %mul3A_331 : vector<16xf32>
      %add3A_333 = arith.addf %add3A_323, %mul3A_332 : vector<16xf32>
      %mul3A_334 = arith.constant 16 : i32
      %mul3A_335 = arith.muli %scan3A_173, %mul3A_334 : i32
      %swap3A = arith.index_cast %mul3A_335 : i32 to index
      %swap3A_336 = tpu.vector_load %arg15[%swap3A] {strides = array<i32>} : memref<512xf32, #tpu.memory_space<vmem>>, vector<16xf32>,
      tpu.vector_store %arg15[%swap3A], %add3A_333 {strides = array<i32>} : memref<512xf32, #tpu.memory_space<vmem>>, vector<16xf32>,
    }
    %scan3A_172 = arith.constant 32 : i32
    "tpu.region"() ({
      %run_scoped3A = tpu.sem_alloc : memref<!tpu.dma_semaphore, #tpu.memory_space<semaphore_mem>>
      %dma_start3A_173 = tpu.memref_slice %arg8[%mul3A_2] : memref<16384xf32, #tpu.memory_space<hbm>> -> memref<512xf32, #tpu.memory_space<hbm>>
      %dma_start3A_174 = tpu.memref_slice %arg8[%mul3A_2] : memref<16384xf32, #tpu.memory_space<hbm>> -> memref<512xf32, #tpu.memory_space<hbm>>
      tpu.enqueue_dma source(%arg15 : memref<512xf32, #tpu.memory_space<vmem>>) target(%dma_start3A_174 : memref<512xf32, #tpu.memory_space<hbm>>) target_semaphore(%run_scoped3A : memref<!tpu.dma_semaphore, #tpu.memory_space<semaphore_mem>>)
      %dma_wait3A_175 = tpu.memref_slice %arg8[%mul3A_2] : memref<16384xf32, #tpu.memory_space<hbm>> -> memref<512xf32, #tpu.memory_space<hbm>>
      %dma_wait3A_176 = tpu.memref_slice %arg8[%mul3A_2] : memref<16384xf32, #tpu.memory_space<hbm>> -> memref<512xf32, #tpu.memory_space<hbm>>
      tpu.wait_dma2 semaphore(%run_scoped3A : memref<!tpu.dma_semaphore, #tpu.memory_space<semaphore_mem>>) src(%arg15 : memref<512xf32, #tpu.memory_space<vmem>>) dst(%dma_wait3A_176 : memref<512xf32, #tpu.memory_space<hbm>>)
      tpu.yield
    }) : () -> ()
    return
  }
}

</mosaic_0001>

<sc_bundles>
// kernel: _mf_sc.3.cloned.1.call-start
scs
__scs_entry_jumppad:
0x0: {  	(pc) =	sbr.rel $0x88, $3  }
0x1: {  	(tag) =	ssettag $0x0;
	lr =	simm.s32 $0x1  }
0x2: {  	[smem:$0x3F9B] =	sst lr;
	_ =	strace $0xD0000000  }
0x3: {  	_ = 	snop  }
0x4: {  	_ = 	snop  }
0x5: {  	_ = 	snop  }
0x6: {  	_ = 	snop  }
0x7: {  	_ = 	snop  }
__scs_overlays_trampoline_lowered:
0x8: {  	[smem:$0x3FAA] =	sst s0  }
0x9: {  	[smem:$0x3FAB] =	sst s1  }
0xa: {  	[smem:$0x3FAC] =	sst s2  }
0xb: {  	[smem:$0x3FAD] =	sst s3  }
0xc: {  	[smem:$0x3FAE] =	sst s4  }
0xd: {  	[smem:$0x3FAF] =	sst s5  }
0xe: {  	[smem:$0x3FB0] =	sst s6  }
0xf: {  	[smem:$0x3FB1] =	sst s7  }
0x10: {  	[smem:$0x3FB2] =	sst s8  }
0x11: {  	[smem:$0x3FB3] =	sst s9;
	s0 =	simm.s32 @!p0 $0x0  }
0x12: {  	s1 =	sld [smem:$0x3F99];
	s0 =	simm.s32 @p0 $0x1  }
0x13: {  	[smem:$0x3FB4] =	sst s0;
	s0 =	simm.s32 @!p1 $0x0  }
0x14: {  	s2 =	sld [smem:$0x3F98];
	s0 =	simm.s32 @p1 $0x1  }
0x15: {  	[smem:$0x3FB5] =	sst s0;
	s0 =	simm.s32 @!p2 $0x0  }
0x16: {  	s3 =	sld [smem:$0x3FDB];
	s0 =	simm.s32 @p2 $0x1  }
0x17: {  	s4 =	simm.s32 $0x1BF5;
	[smem:$0x3FB7] =	sst s0  }
0x18: {  	s0 =	sld [smem:$0x3F9A];
	_ =	swait.ge [sflag:s4], $0x0  }
0x19: {  	s7 =	sld [smem:$0x3F9B]  }
0x1a: {  	s8 =	sadd.s32 $0xFFFFE003, lr  }
0x1b: {  	s9 =	sadd.s32 $0xFFFFFEF7, lr;
	s5 =	simm.s32 $0xFFFFFFFF;
	p2 =	slt.u32 s8, $0xFFFFF086  }
0x1c: {  	p1 =	slt.u32 s9, $0xF7A;
	s5 =	simm.s32 @!p2 $0x0  }
0x1d: {  	s5 =	simm.s32 @p1 $0x1;
	p0 =	seq.s32 s7, s2  }
0x1e: {  	s7 =	smul.u32 @!p0 $0xF7A, s2;
	p2 =	seq.s32 @!p0 s5, $0x0  }
0x1f: {  	s9 =	smul.u32 $0xF7A, s1;
	s8 =	simm.s32 @!p0 $0x1BF5;
	p2 =	por !p2, p0  }
0x20: {  	[sflag:s8] =	ssyncset.s32 @!p0 $0xFFFFF086;
	s6 =	sadd.s32 @!p0 s3, s7;
	s7 =	simm.s32 @!p0 $0x108  }
0x21: {  	s3 =	sadd.s32 s3, s9;
	s6 =	sadd.s32 @!p0 $0x88, s6;
	s7 =	simm.s32 @p2 $0x1082  }
0x22: {  	[simem:s7], [sflag:s8] =	dma.local @!p0 [hbm:s6], $0xF7A  }
0x23: {  	s9 =	sor.u32 $0xD0000000, s2;
	s6 =	simm.s32 $0x108;
	_ =	swait.ge @!p0 [sflag:s8], $0x0  }
0x24: {  	s3 =	sadd.s32 $0x88, s3;
	s6 =	simm.s32 @!p1 $0x1082;
	[sflag:s4] =	ssyncset.s32 $0xFFFFF086  }
0x25: {  	[simem:s6], [sflag:s4] =	dma.local [hbm:s3], $0xF7A  }
0x26: {  	[smem:$0x3F9B] =	sst s1;
	(tag) =	ssettag s2;
	_ =	strace s9  }
0x27: {  	s1 =	sld [smem:$0x3FAB]  }
0x28: {  	s2 =	sld [smem:$0x3FAC]  }
0x29: {  	s4 =	sld [smem:$0x3FAE]  }
0x2a: {  	p0 =	seq.s32 s5, $0x0;
	s5 =	sld [smem:$0x3FAF]  }
0x2b: {  	s6 =	sld [smem:$0x3FB0]  }
0x2c: {  	s7 =	sld [smem:$0x3FB1]  }
0x2d: {  	s3 =	simm.s32 $0x108;
	s8 =	sld [smem:$0x3FB2]  }
0x2e: {  	s3 =	simm.s32 @!p0 $0x1082;
	s9 =	sld [smem:$0x3FB3]  }
0x2f: {  	lr =	sadd.s32 s0, s3;
	s0 =	sld [smem:$0x3FAA]  }
0x30: {  	s3 =	sld [smem:$0x3FAD]  }
0x31: {  	[smem:$0x3FB6] =	sst s10  }
0x32: {  	s10 =	sld [smem:$0x3FB4];
	_ =	sdelay $0x3  }
0x33: {  	p0 =	seq.s32 s10, $0x1;
	s10 =	sld [smem:$0x3FB6];
	_ =	sdelay $0x3  }
0x34: {  	[smem:$0x3FB6] =	sst s10  }
0x35: {  	s10 =	sld [smem:$0x3FB5];
	_ =	sdelay $0x3  }
0x36: {  	p1 =	seq.s32 s10, $0x1;
	s10 =	sld [smem:$0x3FB6];
	_ =	sdelay $0x3  }
0x37: {  	[smem:$0x3FB6] =	sst s10  }
0x38: {  	s10 =	sld [smem:$0x3FB7]  }
0x39: {  	_ = 	snop;
	(pc) =	sbr.ind lr, $3  }
0x3a: {  	_ = 	snop  }
0x3b: {  	_ = 	snop  }
0x3c: {  	p2 =	seq.s32 s10, $0x1;
	s10 =	sld [smem:$0x3FB6]  }
0x3d: {  	_ =	shalt  }
0x3e: {  	_ =	shalt  }
0x3f: {  	_ =	shalt  }
0x40: {  	_ =	shalt  }
0x41: {  	_ =	shalt  }
0x42: {  	_ =	shalt  }
0x43: {  	_ =	shalt  }
0x44: {  	_ =	shalt  }
0x45: {  	_ =	shalt  }
0x46: {  	_ =	shalt  }
0x47: {  	_ =	shalt  }
0x48: {  	_ =	shalt  }
0x49: {  	_ =	shalt  }
0x4a: {  	_ =	shalt  }
0x4b: {  	_ =	shalt  }
0x4c: {  	_ =	shalt  }
0x4d: {  	_ =	shalt  }
0x4e: {  	_ =	shalt  }
0x4f: {  	_ =	shalt  }
0x50: {  	_ =	shalt  }
0x51: {  	_ =	shalt  }
0x52: {  	_ =	shalt  }
0x53: {  	_ =	shalt  }
0x54: {  	_ =	shalt  }
0x55: {  	_ =	shalt  }
0x56: {  	_ =	shalt  }
0x57: {  	_ =	shalt  }
0x58: {  	_ =	shalt  }
0x59: {  	_ =	shalt  }
0x5a: {  	_ =	shalt  }
0x5b: {  	_ =	shalt  }
0x5c: {  	_ =	shalt  }
0x5d: {  	_ =	shalt  }
0x5e: {  	_ =	shalt  }
0x5f: {  	_ =	shalt  }
0x60: {  	_ =	shalt  }
0x61: {  	_ =	shalt  }
0x62: {  	_ =	shalt  }
0x63: {  	_ =	shalt  }
0x64: {  	_ =	shalt  }
0x65: {  	_ =	shalt  }
0x66: {  	_ =	shalt  }
0x67: {  	_ =	shalt  }
0x68: {  	_ =	shalt  }
0x69: {  	_ =	shalt  }
0x6a: {  	_ =	shalt  }
0x6b: {  	_ =	shalt  }
0x6c: {  	_ =	shalt  }
0x6d: {  	_ =	shalt  }
0x6e: {  	_ =	shalt  }
0x6f: {  	_ =	shalt  }
0x70: {  	_ =	shalt  }
0x71: {  	_ =	shalt  }
0x72: {  	_ =	shalt  }
0x73: {  	_ =	shalt  }
0x74: {  	_ =	shalt  }
0x75: {  	_ =	shalt  }
0x76: {  	_ =	shalt  }
0x77: {  	_ =	shalt  }
0x78: {  	_ =	shalt  }
0x79: {  	_ =	shalt  }
0x7a: {  	_ =	shalt  }
0x7b: {  	_ =	shalt  }
0x7c: {  	_ =	shalt  }
0x7d: {  	_ =	shalt  }
0x7e: {  	_ =	shalt  }
0x7f: {  	_ =	shalt  }
0x80: {  	_ =	shalt  }
0x81: {  	_ =	shalt  }
0x82: {  	_ =	shalt  }
0x83: {  	_ =	shalt  }
0x84: {  	_ =	shalt  }
0x85: {  	_ =	shalt  }
0x86: {  	_ =	shalt  }
0x87: {  	_ =	shalt  }
.Lfunc_end0:
.L_simem_size_0:
called_computation_lowered:
.L_overlay_start_0:
0x88: {  	s2 =	sld [smem:$0x3FD9]  }
0x89: {  	s3 =	sld [smem:$0x3FFE];
	_ =	sdelay $0x1  }
0x8a: {  	s1 =	srdreg.scid  }
0x8b: {  	s0 =	sand.u32 $0x1, s1  }
0x8c: {  	s17 =	sshll.u32 s0, $0xA;
	s2 =	sadd.s32 s3, s2  }
0x8d: {  	s2 =	sadd.s32 s2, s17  }
0x8e: {  	[smem:$0x3FC2] =	sst s2  }
0x8f: {  	_ = 	snop  }
0x90: {  	s2 =	sld [smem:$0x3FC9]  }
0x91: {  	s18 =	sld [smem:$0x3FC8]  }
0x92: {  	s4 =	sld [smem:$0x3FC5]  }
0x93: {  	s5 =	sld [smem:$0x3FC4]  }
0x94: {  	s6 =	sld [smem:$0x3FD0];
	(tm) =	ssettm $0x1  }
0x95: {  	s7 =	sld [smem:$0x3FFB];
	_ =	sdelay $0x3  }
0x96: {  	_ =	strace s7  }
0x97: {  	s7 =	sld [smem:$0x3FFC];
	_ =	sdelay $0x3  }
0x98: {  	_ =	strace s7  }
0x99: {  	s7 =	sld [smem:$0x3FFD];
	_ =	sdelay $0x3  }
0x9a: {  	_ =	strace s7  }
0x9b: {  	_ =	strace $0x8FFFFFFF  }
0x9c: {  	s19 =	sld [smem:$0x3FDB];
	_ =	sdelay $0x1  }
0x9d: {  	s8 =	simm.s32 $_scs_section_size  }
0x9e: {  	s9 =	simm.s32 $_size__tile_overlayer_lowered;
	s10 =	simm.s32 $_tile_overlayer_lowered  }
0x9f: {  	s22 =	simm.s32 $0x1BFF;
	s21 =	sshll.u32 s10, $0x1;
	s7 =	sadd.s32 s8, s19  }
0xa0: {  	s11 =	simm.s32 $0x0;
	s20 =	sshll.u32 s9, $0x1;
	s9 =	sadd.s32 s21, s7  }
0xa1: {  	[timem:s11], [sflag:s22] =	dma.local [hbm:s9], s20  }
0xa2: {  	_ =	swait.ge [sflag:s22], s20  }
0xa3: {  	s8 =	ssub.s32 $0x0, s20;
	[sflag:s22] =	ssyncset.done $0x0  }
0xa4: {  	[sflag:s22] =	ssyncadd.s32 s8;
	_ =	sdelay $0x1  }
0xa5: {  	s23 =	simm.s32 $0x1B8B  }
0xa6: {  	_ =	swait.ge [sflag:s23], $0x1  }
0xa7: {  	[sflag:s23] =	ssyncset.done $0x0  }
0xa8: {  	s25 =	simm.s32 $0x1B8E;
	s24 =	sld [smem:$0x3FFE];
	[sflag:s23] =	ssyncadd.s32 $0xFFFFFFFF  }
0xa9: {  	s26 =	simm.s32 $execute0_lowered;
	[smem:$0x3FD2] =	sst s25  }
0xaa: {  	s9 =	sshll.u32 s26, $0x1;
	_ =	strace $0x80000046;
	[dreg:$0x1] =	wrdreg $0xFFFFFFFF  }
0xab: {  	s28 =	simm.s32 $_size_execute0_lowered;
	s7 =	sadd.s32 s7, s9;
	[dreg:$0x0] =	wrdreg $0x0  }
0xac: {  	s9 =	sshll.u32 s28, $0x1;
	[dreg:$0x2] =	wrdreg s7  }
0xad: {  	[dreg:$0x3] =	wrdreg s9  }
0xae: {  	[dreg:$0x4] =	wrdreg $0xC0  }
0xaf: {  	_ =	task [dreg:s11], $0x5FFFF  }
0xb0: {  	[dreg:$0x1] =	wrdreg $0xFFFFFFFF  }
0xb1: {  	[dreg:$0x0] =	wrdreg $0x60  }
0xb2: {  	[dreg:$0x2] =	wrdreg s2  }
0xb3: {  	[dreg:$0x3] =	wrdreg s18  }
0xb4: {  	[dreg:$0x4] =	wrdreg s24  }
0xb5: {  	[dreg:$0x5] =	wrdreg s4  }
0xb6: {  	[dreg:$0x6] =	wrdreg s5  }
0xb7: {  	[dreg:$0x7] =	wrdreg s6  }
0xb8: {  	[dreg:$0x8] =	wrdreg $0x9  }
0xb9: {  	_ =	task.clear_ibuf [dreg:s11], $0x9FFFF;
	_ =	strace $0x90000046  }
0xba: {  	s29 =	simm.s32 $0x9;
	_ =	strace $0x80000048  }
0xbb: {  	_ =	swait.ge [sflag:s29], $0x1  }
0xbc: {  	[sflag:s29] =	ssyncadd.s32 $0xFFFFFFFF  }
0xbd: {  	_ =	strace $0x90000048  }
0xbe: {  	_ =	sfence  }
0xbf: {  	s30 =	sld [smem:$0x0];
	_ =	sdelay $0x2  }
0xc0: {  	s31 =	sshll.u32 s1, $0xD;
	s1 =	sshrl.u32 s1, $0x2  }
0xc1: {  	s3 =	sand.u32 $0x4000, s31;
	s1 =	sadd.s32 s1, s30  }
0xc2: {  	s0 =	sor.u32 s3, s0;
	s1 =	sshll.u32 s1, $0x11  }
0xc3: {  	s0 =	sor.u32 s1, s0  }
0xc4: {  	s0 =	sadd.s32 $0x8F2B, s0  }
0xc5: {  	[sflag:s0] =	ssyncadd.remote.s32 $0x1  }
0xc6: {  	_ =	sfence.sel $0xFFFF  }
0xc7: {  	[dreg:$0x0] =	wrdreg $0xFFFFFFFF;
	(pc) =	sbr.abs _section_cstart, $3  }
0xc8: {  	[dreg:$0x1] =	wrdreg $0xFFFFFFFF  }
0xc9: {  	_ =	task.clear_ibuf [dreg:s11], $0x2FFFF;
	_ =	strace $0x9FFFFFFF  }
0xca: {  	(tm) =	ssettm $0x7FFFFFFF  }
0xcb: {  	_ =	shalt  }
tec
execute0_lowered:
.L_overlay_start_1:
0x0: {  	(tag) =	ssettag $0x1  }
0x1: {  	s0 =	rddreg [dreg:$0x0]  }
0x2: {  	s1 =	rddreg [dreg:$0x1]  }
0x3: {  	s3 =	rddreg [dreg:$0x2]  }
0x4: {  	s2 =	rddreg [dreg:$0x4]  }
0x5: {  	s9 =	rddreg [dreg:$0x5]  }
0x6: {  	s4 =	simm.s32 $0x0;
	s5 =	srdreg.scid;
	s6 =	stileid.u32  }
0x7: {  	s12 =	simm.s32 $0x200;
	s13 =	simm.s32 $0x4400;
	s14 =	simm.s32 $0x4410  }
0x8: {  	s15 =	simm.s32 $0x80;
	s16 =	simm.s32 $0x400;
	s17 =	simm.s32 $0x2400  }
0x9: {  	s18 =	simm.s32 $0xC00;
	s19 =	simm.s32 $0x280;
	s20 =	simm.s32 $0x2C00  }
0xa: {  	s21 =	simm.s32 $0x100;
	s22 =	simm.s32 $0x1400;
	s23 =	simm.s32 $0x300  }
0xb: {  	s24 =	simm.s32 $0x3400;
	s25 =	simm.s32 $0x180;
	s28 =	simm.s32 $0x380  }
0xc: {  	s29 =	simm.s32 $0x3C00;
	s30 =	simm.s32 $0x1;
	s31 =	simm.s32 $0x4420  }
0xd: {  	[smem:$0x7FF] =	sst s4;
	s5 =	sand.u32 $0x1, s5;
	s6 =	sshll.u32 s6, $0x7  }
0xe: {  	_ =	strace $0x80000047;
	s7 =	ssub.s32 $0x2, s5;
	s8 =	sshll.u32 s5, $0x6  }
0xf: {  	s5 =	sadd.s32 $0xF42A00, s3;
	s10 =	sshrl.u32 s7, $0x1;
	s11 =	sor.u32 s8, s6  }
0x10: {  	v0 =	vlaneseq.u32;
	s6 =	sadd.s32 $0x187000, s3;
	s26 =	ssub.s32 s7, s10;
	s7 =	sadd.s32 s0, s11  }
0x11: {  	v0 =	vmul.u32 $0x10, v0;
	s8 =	sadd.s32 s1, s11;
	s9 =	sadd.s32 s9, s11;
	s11 =	simm.s32 $0x2  }
0x12: {  	s0 =	simm.s32 $0x0;
	s10 =	smax.u32 s26, $0x1;
	s26 =	simm.s32 $0x1C00  }
.LBB2_1:
0x13: {  	[tilespmem:s4], [sflag:$0x2] =	stream.linear.gather [hbm4b:s7+s4], $0x200, $0x38;
	[tilespmem:$0x4620] =	vst v63  }
0x14: {  	_ =	swait.ge [sflag:s11], $0x200  }
0x15: {  	[sflag:s11] =	ssyncset.done $0x0  }
0x16: {  	[sflag:s11] =	ssyncadd.s32 $0xFFFFFE00  }
0x17: {  	[tilespmem:s12], [sflag:$0x2] =	stream.linear.gather [hbm4b:s8+s4], $0x200, $0x38;
	[tilespmem:$0x4620] =	vst v63  }
0x18: {  	_ =	swait.ge [sflag:s11], $0x200  }
0x19: {  	[sflag:s11] =	ssyncset.done $0x0  }
0x1a: {  	[sflag:s11] =	ssyncadd.s32 $0xFFFFFE00  }
0x1b: {  	s1 =	rddreg [dreg:$0x3]  }
0x1c: {  	[tilespmem:s13], [sflag:$0x2] =	stream.linear.gather [hbm4b:s1+s4], $0x10, $0x38;
	[tilespmem:$0x4620] =	vst v63  }
0x1d: {  	_ =	swait.ge [sflag:s11], $0x10  }
0x1e: {  	[sflag:s11] =	ssyncset.done $0x0  }
0x1f: {  	[sflag:s11] =	ssyncadd.s32 $0xFFFFFFF0  }
0x20: {  	[tilespmem:s14], [sflag:$0x2] =	stream.linear.gather [hbm4b:s2+s4], $0x10, $0x38;
	[tilespmem:$0x4620] =	vst v63  }
0x21: {  	_ =	swait.ge [sflag:s11], $0x10  }
0x22: {  	[sflag:s11] =	ssyncset.done $0x0  }
0x23: {  	[sflag:s11] =	ssyncadd.s32 $0xFFFFFFF0  }
0x24: {  	[tilespmem:s16], [sflag:$0x1] =	stream.indirect.gather [hbm4b:s5+s15], $0x10, s4, s15, $0xb8;
	[tilespmem:$0x4620] =	vst v63  }
0x25: {  	_ = 	snop  }
0x26: {  	[tilespmem:s17], [sflag:$0x1] =	stream.indirect.gather [hbm4b:s6+s15], $0x10, s12, s15, $0xb8;
	[tilespmem:$0x4620] =	vst v63  }
0x27: {  	_ = 	snop  }
0x28: {  	[tilespmem:s18], [sflag:$0x1] =	stream.indirect.gather [hbm4b:s5+s15], $0x10, s15, s15, $0xb8;
	[tilespmem:$0x4620] =	vst v63  }
0x29: {  	_ = 	snop  }
0x2a: {  	[tilespmem:s20], [sflag:$0x1] =	stream.indirect.gather [hbm4b:s6+s15], $0x10, s19, s15, $0xb8;
	[tilespmem:$0x4620] =	vst v63  }
0x2b: {  	_ = 	snop  }
0x2c: {  	[tilespmem:s22], [sflag:$0x1] =	stream.indirect.gather [hbm4b:s5+s15], $0x10, s21, s15, $0xb8;
	[tilespmem:$0x4620] =	vst v63  }
0x2d: {  	_ = 	snop  }
0x2e: {  	[tilespmem:s24], [sflag:$0x1] =	stream.indirect.gather [hbm4b:s6+s15], $0x10, s23, s15, $0xb8;
	[tilespmem:$0x4620] =	vst v63  }
0x2f: {  	_ = 	snop  }
0x30: {  	[tilespmem:s26], [sflag:$0x1] =	stream.indirect.gather [hbm4b:s5+s15], $0x10, s25, s15, $0xb8;
	[tilespmem:$0x4620] =	vst v63  }
0x31: {  	_ = 	snop  }
0x32: {  	[tilespmem:s29], [sflag:$0x1] =	stream.indirect.gather [hbm4b:s6+s15], $0x10, s28, s15, $0xb8;
	[tilespmem:$0x4620] =	vst v63  }
0x33: {  	_ =	swait.ge [sflag:s30], $0x800  }
0x34: {  	[sflag:s30] =	ssyncset.done $0x0  }
0x35: {  	[sflag:s30] =	ssyncadd.s32 $0xFFFFF800  }
0x36: {  	_ =	swait.ge [sflag:s30], $0x800  }
0x37: {  	[sflag:s30] =	ssyncset.done $0x0  }
0x38: {  	[sflag:s30] =	ssyncadd.s32 $0xFFFFF800  }
0x39: {  	_ =	swait.ge [sflag:s30], $0x800  }
0x3a: {  	[sflag:s30] =	ssyncset.done $0x0  }
0x3b: {  	[sflag:s30] =	ssyncadd.s32 $0xFFFFF800  }
0x3c: {  	_ =	swait.ge [sflag:s30], $0x800  }
0x3d: {  	[sflag:s30] =	ssyncset.done $0x0  }
0x3e: {  	[sflag:s30] =	ssyncadd.s32 $0xFFFFF800  }
0x3f: {  	_ =	swait.ge [sflag:s30], $0x800  }
0x40: {  	[sflag:s30] =	ssyncset.done $0x0  }
0x41: {  	[sflag:s30] =	ssyncadd.s32 $0xFFFFF800  }
0x42: {  	_ =	swait.ge [sflag:s30], $0x800  }
0x43: {  	[sflag:s30] =	ssyncset.done $0x0  }
0x44: {  	[sflag:s30] =	ssyncadd.s32 $0xFFFFF800  }
0x45: {  	_ =	swait.ge [sflag:s30], $0x800  }
0x46: {  	v1 =	vmov s4;
	[sflag:s30] =	ssyncset.done $0x0  }
0x47: {  	v1 =	vshll.u32 v1, $0x4;
	[sflag:s30] =	ssyncadd.s32 $0xFFFFF800  }
0x48: {  	v13 =	vor.u32 v0, v1;
	_ =	swait.ge [sflag:s30], $0x800  }
0x49: {  	[sflag:s30] =	ssyncset.done $0x0  }
0x4a: {  	v2 =	vor.u32 $0x1, v13;
	[sflag:s30] =	ssyncadd.s32 $0xFFFFF800  }
0x4b: {  	v17 =	vld [tilespmem:$0x4400]  }
0x4c: {  	v3 =	vor.u32 $0x2, v13;
	v1 =	vld [tilespmem:$0x4410]  }
0x4d: {  	v4 =	vld.idx.msk [tilespmem:v13+s17+$0x0], $0xffff  }
0x4e: {  	v7 =	vor.u32 $0x3, v13;
	v5 =	vld.idx.msk [tilespmem:v13+s16+$0x0], $0xffff  }
0x4f: {  	v14 =	vor.u32 $0x5, v13;
	v8 =	vld.idx.msk [tilespmem:v2+s16+$0x0], $0xffff  }
0x50: {  	v9 =	vld.idx.msk [tilespmem:v2+s17+$0x0], $0xffff  }
0x51: {  	v11 =	vld.idx.msk [tilespmem:v3+s16+$0x0], $0xffff  }
0x52: {  	v10 =	vor.u32 $0x4, v13;
	v12 =	vld.idx.msk [tilespmem:v3+s17+$0x0], $0xffff  }
0x53: {  	v15 =	vld.idx.msk [tilespmem:v7+s16+$0x0], $0xffff  }
0x54: {  	v18 =	vld.idx.msk [tilespmem:v14+s16+$0x0], $0xffff  }
0x55: {  	v14 =	vld.idx.msk [tilespmem:v14+s17+$0x0], $0xffff  }
0x56: {  	v6 =	vbroadcast v17, $0x0;
	v3 =	vmul.f32 v4, v5;
	v5 =	vld.idx.msk [tilespmem:v7+s17+$0x0], $0xffff;
	v7 =	vor.u32 $0x6, v13  }
0x57: {  	v16 =	vld.idx.msk [tilespmem:v10+s16+$0x0], $0xffff;
	v2 =	vbroadcast v17, $0x1  }
0x58: {  	v8 =	vmul.f32 v9, v8;
	v9 =	vld.idx.msk [tilespmem:v10+s17+$0x0], $0xffff;
	v10 =	vor.u32 $0x7, v13;
	v4 =	vmul.f32 v3, v6  }
0x59: {  	v11 =	vmul.f32 v12, v11;
	v12 =	vor.u32 $0x8, v13  }
0x5a: {  	v3 =	vbroadcast v17, $0x2;
	v8 =	vmul.f32 v8, v2;
	v19 =	vadd.f32 v4, v1  }
0x5b: {  	v14 =	vmul.f32 v14, v18;
	v18 =	vor.u32 $0xB, v13;
	v4 =	vbroadcast v17, $0x3;
	v20 =	vld.idx.msk [tilespmem:v7+s16+$0x0], $0xffff  }
0x5c: {  	v11 =	vmul.f32 v11, v3;
	v15 =	vmul.f32 v5, v15;
	v21 =	vld.idx.msk [tilespmem:v7+s17+$0x0], $0xffff;
	v8 =	vadd.f32 v8, v19  }
0x5d: {  	v5 =	vbroadcast v17, $0x4;
	v22 =	vld.idx.msk [tilespmem:v10+s16+$0x0], $0xffff;
	v19 =	vor.u32 $0x9, v13  }
0x5e: {  	v9 =	vmul.f32 v9, v16;
	v10 =	vld.idx.msk [tilespmem:v10+s17+$0x0], $0xffff;
	v8 =	vadd.f32 v11, v8;
	v11 =	vmul.f32 v15, v4  }
0x5f: {  	v7 =	vbroadcast v17, $0x5;
	v16 =	vld.idx.msk [tilespmem:v12+s16+$0x0], $0xffff;
	v15 =	vor.u32 $0xA, v13  }
0x60: {  	v12 =	vld.idx.msk [tilespmem:v12+s17+$0x0], $0xffff;
	v9 =	vmul.f32 v9, v5;
	v11 =	vadd.f32 v11, v8  }
0x61: {  	v25 =	vld.idx.msk [tilespmem:v18+s16+$0x0], $0xffff;
	v14 =	vmul.f32 v14, v7  }
0x62: {  	v8 =	vbroadcast v17, $0x6;
	v20 =	vmul.f32 v21, v20;
	v23 =	vld.idx.msk [tilespmem:v19+s16+$0x0], $0xffff;
	v11 =	vadd.f32 v9, v11  }
0x63: {  	v21 =	vor.u32 $0xC, v13;
	v19 =	vld.idx.msk [tilespmem:v19+s17+$0x0], $0xffff;
	v9 =	vbroadcast v17, $0x7  }
0x64: {  	v24 =	vld.idx.msk [tilespmem:v15+s16+$0x0], $0xffff;
	v11 =	vadd.f32 v14, v11;
	v14 =	vmul.f32 v20, v8;
	v20 =	vmul.f32 v10, v22  }
0x65: {  	v12 =	vmul.f32 v12, v16;
	v15 =	vld.idx.msk [tilespmem:v15+s17+$0x0], $0xffff;
	v22 =	vor.u32 $0xD, v13  }
0x66: {  	v18 =	vld.idx.msk [tilespmem:v18+s17+$0x0], $0xffff;
	v10 =	vbroadcast v17, $0x8;
	v14 =	vadd.f32 v14, v11;
	v20 =	vmul.f32 v20, v9  }
0x67: {  	v16 =	vor.u32 $0xE, v13;
	v11 =	vbroadcast v17, $0x9  }
0x68: {  	v26 =	vld.idx.msk [tilespmem:v21+s16+$0x0], $0xffff;
	v19 =	vmul.f32 v19, v23;
	v14 =	vadd.f32 v20, v14;
	v20 =	vmul.f32 v12, v10  }
0x69: {  	v21 =	vld.idx.msk [tilespmem:v21+s17+$0x0], $0xffff;
	v23 =	vor.u32 $0xF, v13;
	v12 =	vbroadcast v17, $0xA  }
0x6a: {  	v19 =	vmul.f32 v19, v11;
	v15 =	vmul.f32 v15, v24;
	v27 =	vld.idx.msk [tilespmem:v22+s16+$0x0], $0xffff;
	v14 =	vadd.f32 v20, v14  }
0x6b: {  	v18 =	vmul.f32 v18, v25;
	v13 =	vbroadcast v17, $0xB;
	v20 =	vld.idx.msk [tilespmem:v22+s17+$0x0], $0xffff  }
0x6c: {  	v43 =	vld.idx.msk [tilespmem:v16+s17+$0x0], $0xffff;
	v15 =	vmul.f32 v15, v12;
	v19 =	vadd.f32 v19, v14  }
0x6d: {  	v18 =	vmul.f32 v18, v13;
	v22 =	vld.idx.msk [tilespmem:v16+s16+$0x0], $0xffff  }
0x6e: {  	v44 =	vld.idx.msk [tilespmem:v23+s16+$0x0], $0xffff;
	v14 =	vbroadcast v17, $0xC;
	v16 =	vadd.f32 v15, v19;
	v19 =	vmul.f32 v21, v26  }
0x6f: {  	v15 =	vbroadcast v17, $0xD;
	v21 =	vld.idx.msk [tilespmem:v23+s17+$0x0], $0xffff  }
0x70: {  	v20 =	vmul.f32 v20, v27;
	v18 =	vadd.f32 v18, v16;
	v19 =	vmul.f32 v19, v14  }
0x71: {  	v16 =	vbroadcast v17, $0xE  }
0x72: {  	s3 =	simm.s32 $0x10;
	v18 =	vadd.f32 v19, v18;
	v19 =	vmul.f32 v20, v15;
	v20 =	vmul.f32 v43, v22  }
0x73: {  	v17 =	vbroadcast v17, $0xF;
	v22 =	vmov s3  }
0x74: {  	v18 =	vadd.f32 v19, v18;
	v19 =	vmul.f32 v20, v16;
	v20 =	vmul.f32 v21, v44  }
0x75: {  	v21 =	vshll.u32 v22, $0x4  }
0x76: {  	v21 =	vor.u32 v0, v21;
	v18 =	vadd.f32 v19, v18;
	v19 =	vmul.f32 v20, v17;
	_ =	sdelay $0x1  }
0x77: {  	v20 =	vor.u32 $0x1, v21;
	v18 =	vadd.f32 v19, v18;
	_ =	sdelay $0x1  }
0x78: {  	v19 =	vor.u32 $0x2, v21;
	[tilespmem:s31+$0x0] =	vst v18  }
0x79: {  	v18 =	vld.idx.msk [tilespmem:v21+s17+$0x0], $0xffff  }
0x7a: {  	v23 =	vor.u32 $0x3, v21;
	v22 =	vld.idx.msk [tilespmem:v21+s16+$0x0], $0xffff  }
0x7b: {  	v45 =	vld.idx.msk [tilespmem:v20+s16+$0x0], $0xffff  }
0x7c: {  	v46 =	vor.u32 $0x4, v21;
	v20 =	vld.idx.msk [tilespmem:v20+s17+$0x0], $0xffff  }
0x7d: {  	v47 =	vld.idx.msk [tilespmem:v19+s16+$0x0], $0xffff  }
0x7e: {  	v48 =	vor.u32 $0x5, v21;
	v19 =	vld.idx.msk [tilespmem:v19+s17+$0x0], $0xffff  }
0x7f: {  	v28 =	vld.idx.msk [tilespmem:v23+s16+$0x0], $0xffff;
	v18 =	vmul.f32 v18, v22  }
0x80: {  	v22 =	vld.idx.msk [tilespmem:v23+s17+$0x0], $0xffff;
	v23 =	vor.u32 $0x6, v21  }
0x81: {  	v29 =	vld.idx.msk [tilespmem:v46+s16+$0x0], $0xffff;
	v20 =	vmul.f32 v20, v45;
	v18 =	vmul.f32 v18, v6  }
0x82: {  	v50 =	vor.u32 $0x7, v21;
	v49 =	vld.idx.msk [tilespmem:v46+s17+$0x0], $0xffff  }
0x83: {  	v30 =	vld.idx.msk [tilespmem:v48+s16+$0x0], $0xffff;
	v20 =	vmul.f32 v20, v2;
	v19 =	vmul.f32 v19, v47;
	v18 =	vadd.f32 v18, v1  }
0x84: {  	v51 =	vor.u32 $0x8, v21;
	v27 =	vld.idx.msk [tilespmem:v48+s17+$0x0], $0xffff  }
0x85: {  	v19 =	vmul.f32 v19, v3;
	v31 =	vld.idx.msk [tilespmem:v23+s16+$0x0], $0xffff;
	v18 =	vadd.f32 v20, v18;
	v20 =	vmul.f32 v22, v28  }
0x86: {  	v23 =	vld.idx.msk [tilespmem:v23+s17+$0x0], $0xffff;
	v22 =	vor.u32 $0x9, v21  }
0x87: {  	v52 =	vld.idx.msk [tilespmem:v50+s16+$0x0], $0xffff;
	v18 =	vadd.f32 v19, v18;
	v19 =	vmul.f32 v20, v4;
	v20 =	vmul.f32 v49, v29  }
0x88: {  	v53 =	vor.u32 $0xA, v21;
	v25 =	vld.idx.msk [tilespmem:v50+s17+$0x0], $0xffff  }
0x89: {  	v54 =	vld.idx.msk [tilespmem:v51+s16+$0x0], $0xffff;
	v18 =	vadd.f32 v19, v18;
	v19 =	vmul.f32 v20, v5;
	v20 =	vmul.f32 v27, v30  }
0x8a: {  	v55 =	vor.u32 $0xB, v21;
	v26 =	vld.idx.msk [tilespmem:v51+s17+$0x0], $0xffff  }
0x8b: {  	v56 =	vld.idx.msk [tilespmem:v22+s16+$0x0], $0xffff;
	v18 =	vadd.f32 v19, v18;
	v19 =	vmul.f32 v20, v7;
	v20 =	vmul.f32 v23, v31  }
0x8c: {  	v22 =	vld.idx.msk [tilespmem:v22+s17+$0x0], $0xffff;
	v23 =	vor.u32 $0xC, v21  }
0x8d: {  	v57 =	vld.idx.msk [tilespmem:v53+s16+$0x0], $0xffff;
	v18 =	vadd.f32 v19, v18;
	v19 =	vmul.f32 v20, v8;
	v20 =	vmul.f32 v25, v52  }
0x8e: {  	v58 =	vor.u32 $0xD, v21;
	v24 =	vld.idx.msk [tilespmem:v53+s17+$0x0], $0xffff  }
0x8f: {  	v59 =	vld.idx.msk [tilespmem:v55+s16+$0x0], $0xffff;
	v18 =	vadd.f32 v19, v18;
	v19 =	vmul.f32 v20, v9;
	v20 =	vmul.f32 v26, v54  }
0x90: {  	v60 =	vor.u32 $0xE, v21;
	v27 =	vld.idx.msk [tilespmem:v55+s17+$0x0], $0xffff  }
0x91: {  	v61 =	vld.idx.msk [tilespmem:v23+s16+$0x0], $0xffff;
	v18 =	vadd.f32 v19, v18;
	v19 =	vmul.f32 v20, v10;
	v20 =	vmul.f32 v22, v56  }
0x92: {  	v21 =	vor.u32 $0xF, v21;
	v22 =	vld.idx.msk [tilespmem:v23+s17+$0x0], $0xffff  }
0x93: {  	v62 =	vld.idx.msk [tilespmem:v58+s17+$0x0], $0xffff;
	v18 =	vadd.f32 v19, v18;
	v19 =	vmul.f32 v20, v11;
	v20 =	vmul.f32 v24, v57  }
0x94: {  	v23 =	vld.idx.msk [tilespmem:v58+s16+$0x0], $0xffff  }
0x95: {  	v63 =	vld.idx.msk [tilespmem:v60+s16+$0x0], $0xffff;
	v18 =	vadd.f32 v19, v18;
	v19 =	vmul.f32 v20, v12;
	v20 =	vmul.f32 v27, v59  }
0x96: {  	v26 =	vld.idx.msk [tilespmem:v60+s17+$0x0], $0xffff  }
0x97: {  	v18 =	vadd.f32 v19, v18;
	v19 =	vmul.f32 v20, v13;
	v20 =	vmul.f32 v22, v61;
	v22 =	vld.idx.msk [tilespmem:v21+s16+$0x0], $0xffff  }
0x98: {  	v21 =	vld.idx.msk [tilespmem:v21+s17+$0x0], $0xffff  }
0x99: {  	v18 =	vadd.f32 v19, v18;
	v19 =	vmul.f32 v20, v14;
	v20 =	vmul.f32 v62, v23;
	_ =	sdelay $0x1  }
0x9a: {  	s3 =	simm.s32 $0x20;
	v18 =	vadd.f32 v19, v18;
	v19 =	vmul.f32 v20, v15;
	v20 =	vmul.f32 v26, v63  }
0x9b: {  	v23 =	vmov s3  }
0x9c: {  	v18 =	vadd.f32 v19, v18;
	v19 =	vmul.f32 v20, v16;
	v20 =	vmul.f32 v21, v22  }
0x9d: {  	s1 =	simm.s32 $0x30;
	s3 =	simm.s32 $0x4420;
	v21 =	vshll.u32 v23, $0x4  }
.LBB2_2:
0x9e: {  	p0 =	sne.s32 s1, $0x1F0;
	v21 =	vor.u32 v0, v21;
	v18 =	vadd.f32 v19, v18;
	v19 =	vmul.f32 v20, v17;
	_ =	sdelay $0x1  }
0x9f: {  	v20 =	vor.u32 $0x1, v21;
	v18 =	vadd.f32 v19, v18  }
0xa0: {  	s3 =	sadd.s32 $0x10, s3  }
0xa1: {  	v19 =	vor.u32 $0x2, v21;
	[tilespmem:s3+$0x0] =	vst v18  }
0xa2: {  	v18 =	vld.idx.msk [tilespmem:v21+s17+$0x0], $0xffff  }
0xa3: {  	v23 =	vor.u32 $0x3, v21;
	v22 =	vld.idx.msk [tilespmem:v21+s16+$0x0], $0xffff  }
0xa4: {  	v24 =	vld.idx.msk [tilespmem:v20+s16+$0x0], $0xffff  }
0xa5: {  	v25 =	vor.u32 $0x4, v21;
	v20 =	vld.idx.msk [tilespmem:v20+s17+$0x0], $0xffff  }
0xa6: {  	v26 =	vld.idx.msk [tilespmem:v19+s16+$0x0], $0xffff  }
0xa7: {  	v27 =	vor.u32 $0x5, v21;
	v19 =	vld.idx.msk [tilespmem:v19+s17+$0x0], $0xffff  }
0xa8: {  	v28 =	vld.idx.msk [tilespmem:v23+s16+$0x0], $0xffff  }
0xa9: {  	v18 =	vmul.f32 v18, v22;
	v22 =	vld.idx.msk [tilespmem:v23+s17+$0x0], $0xffff;
	v23 =	vor.u32 $0x6, v21  }
0xaa: {  	v29 =	vld.idx.msk [tilespmem:v25+s16+$0x0], $0xffff  }
0xab: {  	v18 =	vmul.f32 v18, v6;
	v20 =	vmul.f32 v20, v24;
	v24 =	vld.idx.msk [tilespmem:v25+s17+$0x0], $0xffff;
	v25 =	vor.u32 $0x7, v21  }
0xac: {  	v31 =	vor.u32 $0x8, v21;
	v30 =	vld.idx.msk [tilespmem:v27+s16+$0x0], $0xffff  }
0xad: {  	v18 =	vadd.f32 v18, v1;
	v20 =	vmul.f32 v20, v2;
	v19 =	vmul.f32 v19, v26;
	v26 =	vld.idx.msk [tilespmem:v27+s17+$0x0], $0xffff  }
0xae: {  	v32 =	vor.u32 $0x9, v21;
	v27 =	vld.idx.msk [tilespmem:v23+s16+$0x0], $0xffff  }
0xaf: {  	v18 =	vadd.f32 v20, v18;
	v19 =	vmul.f32 v19, v3;
	v20 =	vmul.f32 v22, v28;
	v22 =	vld.idx.msk [tilespmem:v23+s17+$0x0], $0xffff  }
0xb0: {  	v28 =	vor.u32 $0xA, v21;
	v23 =	vld.idx.msk [tilespmem:v25+s16+$0x0], $0xffff  }
0xb1: {  	v18 =	vadd.f32 v19, v18;
	v19 =	vmul.f32 v20, v4;
	v20 =	vmul.f32 v24, v29;
	v24 =	vld.idx.msk [tilespmem:v25+s17+$0x0], $0xffff  }
0xb2: {  	v29 =	vor.u32 $0xB, v21;
	v25 =	vld.idx.msk [tilespmem:v31+s16+$0x0], $0xffff  }
0xb3: {  	v18 =	vadd.f32 v19, v18;
	v19 =	vmul.f32 v20, v5;
	v20 =	vmul.f32 v26, v30;
	v26 =	vld.idx.msk [tilespmem:v31+s17+$0x0], $0xffff  }
0xb4: {  	v31 =	vor.u32 $0xC, v21;
	v30 =	vld.idx.msk [tilespmem:v32+s16+$0x0], $0xffff  }
0xb5: {  	v18 =	vadd.f32 v19, v18;
	v19 =	vmul.f32 v20, v7;
	v20 =	vmul.f32 v22, v27;
	v22 =	vld.idx.msk [tilespmem:v32+s17+$0x0], $0xffff  }
0xb6: {  	v32 =	vor.u32 $0xD, v21;
	v27 =	vld.idx.msk [tilespmem:v28+s16+$0x0], $0xffff  }
0xb7: {  	v18 =	vadd.f32 v19, v18;
	v19 =	vmul.f32 v20, v8;
	v20 =	vmul.f32 v24, v23;
	v23 =	vld.idx.msk [tilespmem:v28+s17+$0x0], $0xffff  }
0xb8: {  	v28 =	vor.u32 $0xE, v21;
	v24 =	vld.idx.msk [tilespmem:v29+s16+$0x0], $0xffff  }
0xb9: {  	v18 =	vadd.f32 v19, v18;
	v19 =	vmul.f32 v20, v9;
	v20 =	vmul.f32 v26, v25;
	v25 =	vld.idx.msk [tilespmem:v29+s17+$0x0], $0xffff  }
0xba: {  	v21 =	vor.u32 $0xF, v21;
	v26 =	vld.idx.msk [tilespmem:v31+s16+$0x0], $0xffff  }
0xbb: {  	v18 =	vadd.f32 v19, v18;
	v19 =	vmul.f32 v20, v10;
	v20 =	vmul.f32 v22, v30;
	v22 =	vld.idx.msk [tilespmem:v31+s17+$0x0], $0xffff  }
0xbc: {  	v29 =	vld.idx.msk [tilespmem:v32+s16+$0x0], $0xffff  }
0xbd: {  	v18 =	vadd.f32 v19, v18;
	v19 =	vmul.f32 v20, v11;
	v20 =	vmul.f32 v23, v27;
	v23 =	vld.idx.msk [tilespmem:v32+s17+$0x0], $0xffff  }
0xbe: {  	v27 =	vld.idx.msk [tilespmem:v28+s16+$0x0], $0xffff  }
0xbf: {  	v18 =	vadd.f32 v19, v18;
	v19 =	vmul.f32 v20, v12;
	v20 =	vmul.f32 v25, v24;
	v24 =	vld.idx.msk [tilespmem:v28+s17+$0x0], $0xffff  }
0xc0: {  	v25 =	vld.idx.msk [tilespmem:v21+s16+$0x0], $0xffff  }
0xc1: {  	v18 =	vadd.f32 v19, v18;
	v19 =	vmul.f32 v20, v13;
	v20 =	vmul.f32 v22, v26;
	v21 =	vld.idx.msk [tilespmem:v21+s17+$0x0], $0xffff;
	_ =	sdelay $0x1  }
0xc2: {  	v18 =	vadd.f32 v19, v18;
	v19 =	vmul.f32 v20, v14;
	v20 =	vmul.f32 v23, v29  }
.Ltmp0:
0xc3: {  	(pc) =	sbr.rel @p0 .LBB2_2-.Ltmp0, $4  }
0xc4: {  	v18 =	vadd.f32 v19, v18;
	v19 =	vmul.f32 v20, v15;
	v20 =	vmul.f32 v24, v27  }
0xc5: {  	v22 =	vmov s1  }
0xc6: {  	v18 =	vadd.f32 v19, v18;
	v19 =	vmul.f32 v20, v16;
	v20 =	vmul.f32 v21, v25  }
0xc7: {  	s1 =	sadd.s32 $0x10, s1;
	v21 =	vshll.u32 v22, $0x4  }
0xc8: {  	v21 =	vor.u32 v0, v21;
	v18 =	vadd.f32 v19, v18;
	v31 =	vmul.f32 v20, v17;
	_ =	sdelay $0x1  }
0xc9: {  	v32 =	vor.u32 $0x1, v21;
	v18 =	vadd.f32 v31, v18  }
0xca: {  	s1 =	sadd.s32 $0x10, s3  }
0xcb: {  	v33 =	vor.u32 $0x2, v21;
	[tilespmem:s1+$0x0] =	vst v18  }
0xcc: {  	v18 =	vld.idx.msk [tilespmem:v21+s17+$0x0], $0xffff  }
0xcd: {  	v23 =	vor.u32 $0x3, v21;
	v22 =	vld.idx.msk [tilespmem:v21+s16+$0x0], $0xffff  }
0xce: {  	v24 =	vld.idx.msk [tilespmem:v32+s16+$0x0], $0xffff  }
0xcf: {  	v25 =	vor.u32 $0x4, v21;
	v20 =	vld.idx.msk [tilespmem:v32+s17+$0x0], $0xffff  }
0xd0: {  	v26 =	vld.idx.msk [tilespmem:v33+s16+$0x0], $0xffff  }
0xd1: {  	v27 =	vor.u32 $0x5, v21;
	v19 =	vld.idx.msk [tilespmem:v33+s17+$0x0], $0xffff  }
0xd2: {  	v28 =	vld.idx.msk [tilespmem:v23+s16+$0x0], $0xffff;
	v18 =	vmul.f32 v18, v22  }
0xd3: {  	v35 =	vor.u32 $0x6, v21;
	v34 =	vld.idx.msk [tilespmem:v23+s17+$0x0], $0xffff  }
0xd4: {  	v29 =	vld.idx.msk [tilespmem:v25+s16+$0x0], $0xffff;
	v36 =	vmul.f32 v20, v24;
	v6 =	vmul.f32 v18, v6  }
0xd5: {  	v38 =	vor.u32 $0x7, v21;
	v37 =	vld.idx.msk [tilespmem:v25+s17+$0x0], $0xffff  }
0xd6: {  	v39 =	vld.idx.msk [tilespmem:v27+s16+$0x0], $0xffff;
	v40 =	vmul.f32 v19, v26;
	v2 =	vmul.f32 v36, v2;
	v1 =	vadd.f32 v6, v1  }
0xd7: {  	v41 =	vor.u32 $0x8, v21;
	v42 =	vld.idx.msk [tilespmem:v27+s17+$0x0], $0xffff  }
0xd8: {  	v43 =	vld.idx.msk [tilespmem:v35+s16+$0x0], $0xffff;
	v1 =	vadd.f32 v2, v1;
	v2 =	vmul.f32 v40, v3;
	v3 =	vmul.f32 v34, v28  }
0xd9: {  	v44 =	vor.u32 $0x9, v21;
	v45 =	vld.idx.msk [tilespmem:v35+s17+$0x0], $0xffff  }
0xda: {  	v46 =	vld.idx.msk [tilespmem:v38+s16+$0x0], $0xffff;
	v1 =	vadd.f32 v2, v1;
	v2 =	vmul.f32 v3, v4;
	v3 =	vmul.f32 v37, v29  }
0xdb: {  	v47 =	vor.u32 $0xA, v21;
	v48 =	vld.idx.msk [tilespmem:v38+s17+$0x0], $0xffff  }
0xdc: {  	v49 =	vld.idx.msk [tilespmem:v41+s16+$0x0], $0xffff;
	v1 =	vadd.f32 v2, v1;
	v2 =	vmul.f32 v3, v5;
	v3 =	vmul.f32 v42, v39  }
0xdd: {  	v50 =	vor.u32 $0xB, v21;
	v18 =	vld.idx.msk [tilespmem:v41+s17+$0x0], $0xffff  }
0xde: {  	v51 =	vld.idx.msk [tilespmem:v44+s16+$0x0], $0xffff;
	v1 =	vadd.f32 v2, v1;
	v2 =	vmul.f32 v3, v7;
	v3 =	vmul.f32 v45, v43  }
0xdf: {  	v52 =	vor.u32 $0xC, v21;
	v6 =	vld.idx.msk [tilespmem:v44+s17+$0x0], $0xffff  }
0xe0: {  	v53 =	vld.idx.msk [tilespmem:v47+s16+$0x0], $0xffff;
	v1 =	vadd.f32 v2, v1;
	v2 =	vmul.f32 v3, v8;
	v3 =	vmul.f32 v48, v46  }
0xe1: {  	v54 =	vor.u32 $0xD, v21;
	v4 =	vld.idx.msk [tilespmem:v47+s17+$0x0], $0xffff  }
0xe2: {  	v55 =	vld.idx.msk [tilespmem:v50+s16+$0x0], $0xffff;
	v1 =	vadd.f32 v2, v1;
	v2 =	vmul.f32 v3, v9;
	v3 =	vmul.f32 v18, v49  }
0xe3: {  	v56 =	vor.u32 $0xE, v21;
	v5 =	vld.idx.msk [tilespmem:v50+s17+$0x0], $0xffff  }
0xe4: {  	v57 =	vld.idx.msk [tilespmem:v52+s16+$0x0], $0xffff;
	v1 =	vadd.f32 v2, v1;
	v2 =	vmul.f32 v3, v10;
	v3 =	vmul.f32 v6, v51  }
0xe5: {  	v58 =	vor.u32 $0xF, v21;
	v7 =	vld.idx.msk [tilespmem:v52+s17+$0x0], $0xffff  }
0xe6: {  	v59 =	vld.idx.msk [tilespmem:v54+s16+$0x0], $0xffff;
	v1 =	vadd.f32 v2, v1;
	v2 =	vmul.f32 v3, v11;
	v3 =	vmul.f32 v4, v53  }
0xe7: {  	v60 =	vld.idx.msk [tilespmem:v54+s17+$0x0], $0xffff  }
0xe8: {  	v61 =	vld.idx.msk [tilespmem:v56+s16+$0x0], $0xffff;
	v1 =	vadd.f32 v2, v1;
	v2 =	vmul.f32 v3, v12;
	v3 =	vmul.f32 v5, v55  }
0xe9: {  	v62 =	vld.idx.msk [tilespmem:v56+s17+$0x0], $0xffff  }
0xea: {  	v63 =	vld.idx.msk [tilespmem:v58+s16+$0x0], $0xffff;
	v1 =	vadd.f32 v2, v1;
	v2 =	vmul.f32 v3, v13;
	v3 =	vmul.f32 v7, v57  }
0xeb: {  	v6 =	vld.idx.msk [tilespmem:v58+s17+$0x0], $0xffff  }
0xec: {  	v1 =	vadd.f32 v2, v1;
	v2 =	vmul.f32 v3, v14;
	v3 =	vmul.f32 v60, v59;
	_ =	sdelay $0x1  }
0xed: {  	v1 =	vadd.f32 v2, v1;
	v2 =	vmul.f32 v3, v15;
	v3 =	vmul.f32 v62, v61;
	_ =	sdelay $0x1  }
0xee: {  	v1 =	vadd.f32 v2, v1;
	v2 =	vmul.f32 v3, v16;
	v3 =	vmul.f32 v6, v63;
	_ =	sdelay $0x1  }
0xef: {  	v1 =	vadd.f32 v2, v1;
	v2 =	vmul.f32 v3, v17;
	_ =	sdelay $0x1  }
0xf0: {  	s0 =	sadd.s32 $0x1, s0;
	v1 =	vadd.f32 v2, v1  }
0xf1: {  	p0 =	sne.s32 s0, s10;
	s1 =	sadd.s32 $0x10, s1  }
.Ltmp1:
0xf2: {  	[tilespmem:s1+$0x0] =	vst v1;
	(pc) =	sbr.rel @p0 .LBB2_1-.Ltmp1, $4  }
0xf3: {  	[hbm4b:s9+s4] =	stream.linear.scatter [tilespmem:s31], [sflag:$0x2], $0x200, $0x38;
	[tilespmem:$0x4620] =	vst v63  }
0xf4: {  	_ =	swait.ge [sflag:s11], $0x200  }
0xf5: {  	[sflag:s11] =	ssyncset.done $0x0  }
0xf6: {  	[sflag:s11] =	ssyncadd.s32 $0xFFFFFE00  }
0xf7: {  	_ =	sfence.sel $0x180000  }
0xf8: {  	[bflag:$0x0] =	sbarrier.arrive $0xFFFF  }
0xf9: {  	_ =	strace $0x90000047  }
0xfa: {  	s0 =	stileid.u32;
	[bflag:$0x2] =	sbarrier.arrive $0xFFFF  }
0xfb: {  	p0 =	sne.s32 s0, $0x0;
	s0 =	rddreg [dreg:$0x6]  }
0xfc: {  	s0 =	sadd.s32 @!p0 $0x100000, s0  }
0xfd: {  	[sflag:s0] =	ssyncadd.tile.s32 @!p0 $0x1;
	_ =	shalt  }
.Lfunc_end2:
_tile_overlayer_lowered:
.L_overlay_start_2:
0xfe: {  	(tag) =	ssettag $0x2  }
0xff: {  	s0 =	rddreg [dreg:$0x0];
	s2 =	stileid.u32  }
0x100: {  	s1 =	rddreg [dreg:$0x1];
	p0 =	sne.s32 s2, $0x0  }
0x101: {  	s3 =	rddreg [dreg:$0x2];
	[bflag:$0x3] =	sbarrier.arrive $0xFFFF;
	s2 =	simm.s32 @!p0 $0x1C02  }
0x102: {  	[timem:s3], [sflag:s2] =	dma.local @!p0 [hbm:s0], s1  }
0x103: {  	s0 =	simm.s32 @!p0 $0x2  }
0x104: {  	_ =	swait.ge @!p0 [sflag:s0], s1  }
0x105: {  	s1 =	ssub.s32 @!p0 $0x0, s1;
	[sflag:s0] =	ssyncset.done @!p0 $0x0  }
0x106: {  	[sflag:s0] =	ssyncadd.s32 @!p0 s1  }
0x107: {  	[bflag:$0x3] =	sbarrier.arrive $0xFFFF  }
0x108: {  	_ =	shalt  }

</sc_bundles>
